<compile_context>
chip_gen: v7x
topology: tpu7x:2x2x1
jax: 0.10.2.dev20260603
libtpu: 0.0.44.dev20260713+nightly
codegen_flags: <defaults>
</compile_context>

<pallas_src>
import functools

import jax
import jax.numpy as jnp
from jax import lax
from jax.experimental import pallas as pl
from jax.experimental.pallas import tpu as pltpu
from jax.experimental.pallas import tpu_sc as plsc

N = 10000
D = 128
G = 64

NC = 2
NS = 16
NW = NC * NS
L = 16

NSC = 6144
CH = 64
NCH = 3
RPW = CH * NCH
ZR = 8
TB = 1024
NTCB = (N - NSC + TB - 1) // TB
BIR = 80


def _sc_partial_sums(x, bi):
    mesh = plsc.VectorSubcoreMesh(
        core_axis_name="c", subcore_axis_name="s", num_cores=NC, num_subcores=NS
    )

    @functools.partial(
        pl.kernel,
        mesh=mesh,
        out_type=jax.ShapeDtypeStruct((NC, G, D), jnp.float32),
        scratch_types=[
            pltpu.VMEM((NCH, CH, D), jnp.float32),
            pltpu.VMEM((RPW,), jnp.int32),
            pltpu.VMEM((NCH, CH), jnp.int32),
            pltpu.VMEM((ZR, D), jnp.float32),
            pltpu.VMEM_SHARED((G, D), jnp.float32),
            pltpu.SemaphoreType.DMA((NCH,)),
            pltpu.SemaphoreType.DMA,
        ],
    )
    def k(x_hbm, bi_hbm, sums_out, xb, segf, segb, zb, accs, gsem, ssem):
        cid = lax.axis_index("c")
        sid = lax.axis_index("s")
        wid = sid * NC + cid
        base = pl.multiple_of(wid * RPW, CH)

        gathers = []
        for j in range(NCH):
            off = pl.multiple_of(base + j * CH, CH)
            cp = pltpu.async_copy(x_hbm.at[pl.ds(off, CH)], xb.at[j], gsem.at[j])
            gathers.append(cp)
        pltpu.sync_copy(bi_hbm.at[pl.ds(base, RPW)], segf)

        for j in range(NCH):
            for t in range(CH // L):
                segb[j, pl.ds(t * L, L)] = segf[pl.ds(j * CH + t * L, L)]

        zv = jnp.zeros((L,), jnp.float32)
        for i in range(ZR):
            for t in range(D // L):
                zb[i, pl.ds(t * L, L)] = zv

        @pl.when(sid < G // ZR)
        def _():
            off = pl.multiple_of(sid * ZR, ZR)
            pltpu.sync_copy(zb, accs.at[pl.ds(off, ZR)])

        plsc.subcore_barrier()

        scatters = []
        for j in range(NCH):
            gathers[j].wait()
            cp = pltpu.async_copy(xb.at[j], accs.at[segb.at[j]], ssem, add=True)
            scatters.append(cp)
        for cp in scatters:
            cp.wait()

        plsc.subcore_barrier()

        @pl.when(sid == 0)
        def _():
            pltpu.sync_copy(accs, sums_out.at[cid])

    return k(x, bi)


def _tc_partial_sums(x, bi_pad):

    def body(x_ref, bi_ref, o_ref):
        i = pl.program_id(0)

        @pl.when(i == 0)
        def _():
            o_ref[...] = jnp.zeros_like(o_ref)

        ids = lax.broadcasted_iota(jnp.int32, (G, 1), 0)
        oh = jnp.concatenate(
            [
                (bi_ref[k : k + 1] == ids).astype(jnp.float32)
                for k in range(TB // D)
            ],
            axis=1,
        )
        row = NSC + i * TB + lax.broadcasted_iota(jnp.int32, (TB, 1), 0)
        xm = jnp.where(row < N, x_ref[...], 0.0)
        o_ref[...] += jnp.dot(oh, xm, preferred_element_type=jnp.float32)

    return pl.pallas_call(
        body,
        grid=(NTCB,),
        in_specs=[
            pl.BlockSpec((TB, D), lambda i: (NSC // TB + i, 0)),
            pl.BlockSpec((TB // D, D), lambda i: (NSC // TB + i, 0)),
        ],
        out_specs=pl.BlockSpec((G, D), lambda i: (0, 0)),
        out_shape=jax.ShapeDtypeStruct((G, D), jnp.float32),
    )(x, bi_pad)


def _tc_head(psums_sc, psum_tc, bi_pad, W1, b1, W2, b2):

    def body(ps_ref, pt_ref, bi_ref, w1_ref, b1_ref, w2_ref, b2_ref, o_ref):
        sums = ps_ref[0] + ps_ref[1] + pt_ref[...]
        bi = bi_ref[...]
        ids = lax.broadcasted_iota(jnp.int32, (G, 1, 1), 0)
        cnt = jnp.sum((bi[None] == ids).astype(jnp.float32), axis=(1, 2))
        pooled = sums / jnp.maximum(cnt, 1.0)[:, None]
        h = jnp.dot(pooled, w1_ref[...], preferred_element_type=jnp.float32)
        h = jnp.maximum(h + b1_ref[...], 0.0)
        h = jnp.dot(h, w2_ref[...], preferred_element_type=jnp.float32)
        o_ref[...] = jnp.maximum(h + b2_ref[...], 0.0)

    return pl.pallas_call(
        body,
        out_shape=jax.ShapeDtypeStruct((G, D), jnp.float32),
    )(psums_sc, psum_tc, bi_pad, W1, b1.reshape(1, D), W2, b2.reshape(1, D))


def kernel(x, edge_index, edge_attr, batch_index, W1, b1, W2, b2):
    del edge_index, edge_attr
    bi = batch_index.astype(jnp.int32)
    bi_pad = jnp.concatenate(
        [bi, jnp.full((BIR * D - N,), G, jnp.int32)]
    ).reshape(BIR, D)
    psums_sc = _sc_partial_sums(x, bi)
    psum_tc = _tc_partial_sums(x, bi_pad)
    return _tc_head(psums_sc, psum_tc, bi_pad, W1, b1, W2, b2)

# --- scband reference (transcript-rebuilt; emitter-appended) ---
"""Pipeline reference for scband-gcn-56092272885944 (READ-ONLY COPY).

The authoritative reference and input builder live on the scoring server;
editing this copy changes nothing except your own understanding.
"""

import jax, jax.numpy as jnp
import numpy as np

N = 10000
E = 320000
D = 128
D_EDGE = 16
G = 64


def setup_inputs(seed: int = 0) -> dict:
    key = jax.random.key(seed)
    ks = jax.random.split(key, 8)
    x = jax.random.normal(ks[0], (N, D), dtype=jnp.float32)
    edge_index = jax.random.randint(ks[1], (2, E), 0, N, dtype=jnp.int64 if jax.config.jax_enable_x64 else jnp.int32)
    edge_attr = jax.random.normal(ks[2], (E, D_EDGE), dtype=jnp.float32)
    batch_index = jnp.sort(jax.random.randint(ks[3], (N,), 0, G, dtype=jnp.int64 if jax.config.jax_enable_x64 else jnp.int32))
    # self.linear = make_sequential(2, 128, 128): Linear -> ReLU -> Linear -> ReLU
    W1 = jax.random.normal(ks[4], (D, D), dtype=jnp.float32) * 0.05
    b1 = jnp.zeros((D,), dtype=jnp.float32)
    W2 = jax.random.normal(ks[5], (D, D), dtype=jnp.float32) * 0.05
    b2 = jnp.zeros((D,), dtype=jnp.float32)
    return {"x": x, "edge_index": edge_index, "edge_attr": edge_attr, "batch_index": batch_index,
            "W1": W1, "b1": b1, "W2": W2, "b2": b2}


def reference(x, edge_index, edge_attr, batch_index, W1, b1, W2, b2):
    # num_convs=0 / architecture != 'GIN' -> self.convs is empty, so the conv
    # loop is a no-op; edge_index and edge_attr pass through unused (faithful
    # to the original forward).
    # global_mean_pool(x, batch_index):
    sums = jax.ops.segment_sum(x, batch_index, num_segments=G)
    counts = jax.ops.segment_sum(jnp.ones((x.shape[0],), dtype=x.dtype), batch_index, num_segments=G)
    pooled = sums / jnp.maximum(counts, 1.0)[:, None]
    # self.linear: Linear -> ReLU -> Linear -> ReLU
    h = jax.nn.relu(pooled @ W1 + b1)
    h = jax.nn.relu(h @ W2 + b2)
    return h

if __name__ == "__main__":
    import jax
    _d = setup_inputs()
    print(jax.jit(kernel)(*tuple(_d.values())))

</pallas_src>

<mosaic_0001>
#map = affine_map<(d0, d1) -> (0, 0)>
#map1 = affine_map<(d0, d1) -> (0)>
#map2 = affine_map<(d0, d1) -> (0, 0, 0)>
module attributes {stable_mosaic.version = 14 : i64} {
  func.func @k(%arg0: i32, %arg1: i32, %arg2: memref<10000x128xf32, #tpu.memory_space<hbm>>, %arg3: memref<10000xi32, #tpu.memory_space<hbm>>, %arg4: memref<2x64x128xf32, #tpu.memory_space<hbm>>, %arg5: memref<3x64x128xf32, #tpu.memory_space<vmem>>, %arg6: memref<192xi32, #tpu.memory_space<vmem>>, %arg7: memref<3x64xi32, #tpu.memory_space<vmem>>, %arg8: memref<8x128xf32, #tpu.memory_space<vmem>>, %arg9: memref<64x128xf32, #tpu.memory_space<vmem_shared>>, %arg10: memref<3x!tpu.dma_semaphore, #tpu.memory_space<semaphore_mem>>, %arg11: memref<!tpu.dma_semaphore, #tpu.memory_space<semaphore_mem>>) attributes {dimension_semantics = [#tpu.dimension_semantics<core_parallel>, #tpu.dimension_semantics<subcore_parallel>], iteration_bounds = array<i64: 2, 16>, scalar_prefetch = 0 : i64, scratch_operands = 7 : i64, tpu.core_type = #tpu.core_type<sc_vector_subcore>, window_params = [{transform_indices = #map}, {transform_indices = #map1}, {transform_indices = #map2}]} {
    %mul3A = arith.constant 2 : i32
    %mul3A_0 = arith.muli %arg1, %mul3A : i32
    %add3A = arith.addi %mul3A_0, %arg0 : i32
    %mul3A_1 = arith.constant 192 : i32
    %mul3A_2 = arith.muli %add3A, %mul3A_1 : i32
    %multiple_of3A = tpu.assume_multiple %mul3A_2, 64 : i32
    %add3A_3 = arith.constant 0 : i32
    %add3A_4 = arith.addi %multiple_of3A, %add3A_3 : i32
    %multiple_of3A_5 = tpu.assume_multiple %add3A_4, 64 : i32
    %dma_start3A = arith.constant 0 : i32
    %dma_start3A_6 = arith.constant 0 : i32
    %dma_start3A_7 = arith.constant 0 : i32
    %dma_start3A_8 = arith.constant 0 : i32
    %dma_start3A_9 = tpu.memref_slice %arg5[%dma_start3A, %dma_start3A_7, %dma_start3A_8] : memref<3x64x128xf32, #tpu.memory_space<vmem>> -> memref<1x64x128xf32, #tpu.memory_space<vmem>>
    %dma_start3A_10 = tpu.memref_squeeze %dma_start3A_9 : memref<1x64x128xf32, #tpu.memory_space<vmem>> -> memref<64x128xf32, #tpu.memory_space<vmem>>
    %dma_start3A_11 = arith.constant 0 : i32
    %dma_start3A_12 = tpu.memref_slice %arg2[%multiple_of3A_5, %dma_start3A_11] : memref<10000x128xf32, #tpu.memory_space<hbm>> -> memref<64x128xf32, #tpu.memory_space<hbm>>
    %dma_start3A_13 = tpu.memref_slice %arg10[%dma_start3A_6] : memref<3x!tpu.dma_semaphore, #tpu.memory_space<semaphore_mem>> -> memref<1x!tpu.dma_semaphore, #tpu.memory_space<semaphore_mem>>
    %dma_start3A_14 = tpu.memref_squeeze %dma_start3A_13 : memref<1x!tpu.dma_semaphore, #tpu.memory_space<semaphore_mem>> -> memref<!tpu.dma_semaphore, #tpu.memory_space<semaphore_mem>>
    %dma_start3A_15 = arith.constant 0 : i32
    %dma_start3A_16 = arith.constant 0 : i32
    %dma_start3A_17 = tpu.memref_slice %arg5[%dma_start3A, %dma_start3A_15, %dma_start3A_16] : memref<3x64x128xf32, #tpu.memory_space<vmem>> -> memref<1x64x128xf32, #tpu.memory_space<vmem>>
    %dma_start3A_18 = tpu.memref_squeeze %dma_start3A_17 : memref<1x64x128xf32, #tpu.memory_space<vmem>> -> memref<64x128xf32, #tpu.memory_space<vmem>>
    %dma_start3A_19 = arith.constant 0 : i32
    %dma_start3A_20 = tpu.memref_slice %arg2[%multiple_of3A_5, %dma_start3A_19] : memref<10000x128xf32, #tpu.memory_space<hbm>> -> memref<64x128xf32, #tpu.memory_space<hbm>>
    tpu.enqueue_dma source(%dma_start3A_20 : memref<64x128xf32, #tpu.memory_space<hbm>>) target(%dma_start3A_18 : memref<64x128xf32, #tpu.memory_space<vmem>>) target_semaphore(%dma_start3A_14 : memref<!tpu.dma_semaphore, #tpu.memory_space<semaphore_mem>>)
    %add3A_21 = arith.constant 64 : i32
    %add3A_22 = arith.addi %multiple_of3A, %add3A_21 : i32
    %multiple_of3A_23 = tpu.assume_multiple %add3A_22, 64 : i32
    %dma_start3A_24 = arith.constant 1 : i32
    %dma_start3A_25 = arith.constant 1 : i32
    %dma_start3A_26 = arith.constant 0 : i32
    %dma_start3A_27 = arith.constant 0 : i32
    %dma_start3A_28 = tpu.memref_slice %arg5[%dma_start3A_24, %dma_start3A_26, %dma_start3A_27] : memref<3x64x128xf32, #tpu.memory_space<vmem>> -> memref<1x64x128xf32, #tpu.memory_space<vmem>>
    %dma_start3A_29 = tpu.memref_squeeze %dma_start3A_28 : memref<1x64x128xf32, #tpu.memory_space<vmem>> -> memref<64x128xf32, #tpu.memory_space<vmem>>
    %dma_start3A_30 = arith.constant 0 : i32
    %dma_start3A_31 = tpu.memref_slice %arg2[%multiple_of3A_23, %dma_start3A_30] : memref<10000x128xf32, #tpu.memory_space<hbm>> -> memref<64x128xf32, #tpu.memory_space<hbm>>
    %dma_start3A_32 = tpu.memref_slice %arg10[%dma_start3A_25] : memref<3x!tpu.dma_semaphore, #tpu.memory_space<semaphore_mem>> -> memref<1x!tpu.dma_semaphore, #tpu.memory_space<semaphore_mem>>
    %dma_start3A_33 = tpu.memref_squeeze %dma_start3A_32 : memref<1x!tpu.dma_semaphore, #tpu.memory_space<semaphore_mem>> -> memref<!tpu.dma_semaphore, #tpu.memory_space<semaphore_mem>>
    %dma_start3A_34 = arith.constant 0 : i32
    %dma_start3A_35 = arith.constant 0 : i32
    %dma_start3A_36 = tpu.memref_slice %arg5[%dma_start3A_24, %dma_start3A_34, %dma_start3A_35] : memref<3x64x128xf32, #tpu.memory_space<vmem>> -> memref<1x64x128xf32, #tpu.memory_space<vmem>>
    %dma_start3A_37 = tpu.memref_squeeze %dma_start3A_36 : memref<1x64x128xf32, #tpu.memory_space<vmem>> -> memref<64x128xf32, #tpu.memory_space<vmem>>
    %dma_start3A_38 = arith.constant 0 : i32
    %dma_start3A_39 = tpu.memref_slice %arg2[%multiple_of3A_23, %dma_start3A_38] : memref<10000x128xf32, #tpu.memory_space<hbm>> -> memref<64x128xf32, #tpu.memory_space<hbm>>
    tpu.enqueue_dma source(%dma_start3A_39 : memref<64x128xf32, #tpu.memory_space<hbm>>) target(%dma_start3A_37 : memref<64x128xf32, #tpu.memory_space<vmem>>) target_semaphore(%dma_start3A_33 : memref<!tpu.dma_semaphore, #tpu.memory_space<semaphore_mem>>)
    %add3A_40 = arith.constant 128 : i32
    %add3A_41 = arith.addi %multiple_of3A, %add3A_40 : i32
    %multiple_of3A_42 = tpu.assume_multiple %add3A_41, 64 : i32
    %dma_start3A_43 = arith.constant 2 : i32
    %dma_start3A_44 = arith.constant 2 : i32
    %dma_start3A_45 = arith.constant 0 : i32
    %dma_start3A_46 = arith.constant 0 : i32
    %dma_start3A_47 = tpu.memref_slice %arg5[%dma_start3A_43, %dma_start3A_45, %dma_start3A_46] : memref<3x64x128xf32, #tpu.memory_space<vmem>> -> memref<1x64x128xf32, #tpu.memory_space<vmem>>
    %dma_start3A_48 = tpu.memref_squeeze %dma_start3A_47 : memref<1x64x128xf32, #tpu.memory_space<vmem>> -> memref<64x128xf32, #tpu.memory_space<vmem>>
    %dma_start3A_49 = arith.constant 0 : i32
    %dma_start3A_50 = tpu.memref_slice %arg2[%multiple_of3A_42, %dma_start3A_49] : memref<10000x128xf32, #tpu.memory_space<hbm>> -> memref<64x128xf32, #tpu.memory_space<hbm>>
    %dma_start3A_51 = tpu.memref_slice %arg10[%dma_start3A_44] : memref<3x!tpu.dma_semaphore, #tpu.memory_space<semaphore_mem>> -> memref<1x!tpu.dma_semaphore, #tpu.memory_space<semaphore_mem>>
    %dma_start3A_52 = tpu.memref_squeeze %dma_start3A_51 : memref<1x!tpu.dma_semaphore, #tpu.memory_space<semaphore_mem>> -> memref<!tpu.dma_semaphore, #tpu.memory_space<semaphore_mem>>
    %dma_start3A_53 = arith.constant 0 : i32
    %dma_start3A_54 = arith.constant 0 : i32
    %dma_start3A_55 = tpu.memref_slice %arg5[%dma_start3A_43, %dma_start3A_53, %dma_start3A_54] : memref<3x64x128xf32, #tpu.memory_space<vmem>> -> memref<1x64x128xf32, #tpu.memory_space<vmem>>
    %dma_start3A_56 = tpu.memref_squeeze %dma_start3A_55 : memref<1x64x128xf32, #tpu.memory_space<vmem>> -> memref<64x128xf32, #tpu.memory_space<vmem>>
    %dma_start3A_57 = arith.constant 0 : i32
    %dma_start3A_58 = tpu.memref_slice %arg2[%multiple_of3A_42, %dma_start3A_57] : memref<10000x128xf32, #tpu.memory_space<hbm>> -> memref<64x128xf32, #tpu.memory_space<hbm>>
    tpu.enqueue_dma source(%dma_start3A_58 : memref<64x128xf32, #tpu.memory_space<hbm>>) target(%dma_start3A_56 : memref<64x128xf32, #tpu.memory_space<vmem>>) target_semaphore(%dma_start3A_52 : memref<!tpu.dma_semaphore, #tpu.memory_space<semaphore_mem>>)
    "tpu.region"() ({
      %run_scoped3A = tpu.sem_alloc : memref<!tpu.dma_semaphore, #tpu.memory_space<semaphore_mem>>
      %dma_start3A_676 = tpu.memref_slice %arg3[%multiple_of3A] : memref<10000xi32, #tpu.memory_space<hbm>> -> memref<192xi32, #tpu.memory_space<hbm>>
      %dma_start3A_677 = tpu.memref_slice %arg3[%multiple_of3A] : memref<10000xi32, #tpu.memory_space<hbm>> -> memref<192xi32, #tpu.memory_space<hbm>>
      tpu.enqueue_dma source(%dma_start3A_677 : memref<192xi32, #tpu.memory_space<hbm>>) target(%arg6 : memref<192xi32, #tpu.memory_space<vmem>>) target_semaphore(%run_scoped3A : memref<!tpu.dma_semaphore, #tpu.memory_space<semaphore_mem>>)
      %dma_wait3A_678 = tpu.memref_slice %arg3[%multiple_of3A] : memref<10000xi32, #tpu.memory_space<hbm>> -> memref<192xi32, #tpu.memory_space<hbm>>
      %dma_wait3A_679 = tpu.memref_slice %arg3[%multiple_of3A] : memref<10000xi32, #tpu.memory_space<hbm>> -> memref<192xi32, #tpu.memory_space<hbm>>
      tpu.wait_dma2 semaphore(%run_scoped3A : memref<!tpu.dma_semaphore, #tpu.memory_space<semaphore_mem>>) src(%dma_wait3A_679 : memref<192xi32, #tpu.memory_space<hbm>>) dst(%arg6 : memref<192xi32, #tpu.memory_space<vmem>>)
      tpu.yield
    }) : () -> ()
    %get3A = arith.constant 0 : index
    %get3A_59 = tpu.vector_load %arg6[%get3A] {strides = array<i32>} : memref<192xi32, #tpu.memory_space<vmem>>, vector<16xi32>,
    %get3A_60 = vector.shape_cast %get3A_59 : vector<16xi32> to vector<16xi32>
    %swap3A = arith.constant 0 : i32
    %swap3A_61 = arith.index_cast %swap3A : i32 to index
    %swap3A_62 = arith.constant 0 : index
    %swap3A_63 = tpu.vector_load %arg7[%swap3A_61, %swap3A_62] {strides = array<i32>} : memref<3x64xi32, #tpu.memory_space<vmem>>, vector<1x16xi32>,
    %swap3A_64 = vector.shape_cast %swap3A_63 : vector<1x16xi32> to vector<16xi32>
    %swap3A_65 = vector.shape_cast %get3A_60 : vector<16xi32> to vector<1x16xi32>
    tpu.vector_store %arg7[%swap3A_61, %swap3A_62], %swap3A_65 {strides = array<i32>} : memref<3x64xi32, #tpu.memory_space<vmem>>, vector<1x16xi32>,
    %get3A_66 = arith.constant 16 : index
    %get3A_67 = tpu.vector_load %arg6[%get3A_66] {strides = array<i32>} : memref<192xi32, #tpu.memory_space<vmem>>, vector<16xi32>,
    %get3A_68 = vector.shape_cast %get3A_67 : vector<16xi32> to vector<16xi32>
    %swap3A_69 = arith.constant 0 : i32
    %swap3A_70 = arith.index_cast %swap3A_69 : i32 to index
    %swap3A_71 = arith.constant 16 : index
    %swap3A_72 = tpu.vector_load %arg7[%swap3A_70, %swap3A_71] {strides = array<i32>} : memref<3x64xi32, #tpu.memory_space<vmem>>, vector<1x16xi32>,
    %swap3A_73 = vector.shape_cast %swap3A_72 : vector<1x16xi32> to vector<16xi32>
    %swap3A_74 = vector.shape_cast %get3A_68 : vector<16xi32> to vector<1x16xi32>
    tpu.vector_store %arg7[%swap3A_70, %swap3A_71], %swap3A_74 {strides = array<i32>} : memref<3x64xi32, #tpu.memory_space<vmem>>, vector<1x16xi32>,
    %get3A_75 = arith.constant 32 : index
    %get3A_76 = tpu.vector_load %arg6[%get3A_75] {strides = array<i32>} : memref<192xi32, #tpu.memory_space<vmem>>, vector<16xi32>,
    %get3A_77 = vector.shape_cast %get3A_76 : vector<16xi32> to vector<16xi32>
    %swap3A_78 = arith.constant 0 : i32
    %swap3A_79 = arith.index_cast %swap3A_78 : i32 to index
    %swap3A_80 = arith.constant 32 : index
    %swap3A_81 = tpu.vector_load %arg7[%swap3A_79, %swap3A_80] {strides = array<i32>} : memref<3x64xi32, #tpu.memory_space<vmem>>, vector<1x16xi32>,
    %swap3A_82 = vector.shape_cast %swap3A_81 : vector<1x16xi32> to vector<16xi32>
    %swap3A_83 = vector.shape_cast %get3A_77 : vector<16xi32> to vector<1x16xi32>
    tpu.vector_store %arg7[%swap3A_79, %swap3A_80], %swap3A_83 {strides = array<i32>} : memref<3x64xi32, #tpu.memory_space<vmem>>, vector<1x16xi32>,
    %get3A_84 = arith.constant 48 : index
    %get3A_85 = tpu.vector_load %arg6[%get3A_84] {strides = array<i32>} : memref<192xi32, #tpu.memory_space<vmem>>, vector<16xi32>,
    %get3A_86 = vector.shape_cast %get3A_85 : vector<16xi32> to vector<16xi32>
    %swap3A_87 = arith.constant 0 : i32
    %swap3A_88 = arith.index_cast %swap3A_87 : i32 to index
    %swap3A_89 = arith.constant 48 : index
    %swap3A_90 = tpu.vector_load %arg7[%swap3A_88, %swap3A_89] {strides = array<i32>} : memref<3x64xi32, #tpu.memory_space<vmem>>, vector<1x16xi32>,
    %swap3A_91 = vector.shape_cast %swap3A_90 : vector<1x16xi32> to vector<16xi32>
    %swap3A_92 = vector.shape_cast %get3A_86 : vector<16xi32> to vector<1x16xi32>
    tpu.vector_store %arg7[%swap3A_88, %swap3A_89], %swap3A_92 {strides = array<i32>} : memref<3x64xi32, #tpu.memory_space<vmem>>, vector<1x16xi32>,
    %get3A_93 = arith.constant 64 : index
    %get3A_94 = tpu.vector_load %arg6[%get3A_93] {strides = array<i32>} : memref<192xi32, #tpu.memory_space<vmem>>, vector<16xi32>,
    %get3A_95 = vector.shape_cast %get3A_94 : vector<16xi32> to vector<16xi32>
    %swap3A_96 = arith.constant 1 : i32
    %swap3A_97 = arith.index_cast %swap3A_96 : i32 to index
    %swap3A_98 = arith.constant 0 : index
    %swap3A_99 = tpu.vector_load %arg7[%swap3A_97, %swap3A_98] {strides = array<i32>} : memref<3x64xi32, #tpu.memory_space<vmem>>, vector<1x16xi32>,
    %swap3A_100 = vector.shape_cast %swap3A_99 : vector<1x16xi32> to vector<16xi32>
    %swap3A_101 = vector.shape_cast %get3A_95 : vector<16xi32> to vector<1x16xi32>
    tpu.vector_store %arg7[%swap3A_97, %swap3A_98], %swap3A_101 {strides = array<i32>} : memref<3x64xi32, #tpu.memory_space<vmem>>, vector<1x16xi32>,
    %get3A_102 = arith.constant 80 : index
    %get3A_103 = tpu.vector_load %arg6[%get3A_102] {strides = array<i32>} : memref<192xi32, #tpu.memory_space<vmem>>, vector<16xi32>,
    %get3A_104 = vector.shape_cast %get3A_103 : vector<16xi32> to vector<16xi32>
    %swap3A_105 = arith.constant 1 : i32
    %swap3A_106 = arith.index_cast %swap3A_105 : i32 to index
    %swap3A_107 = arith.constant 16 : index
    %swap3A_108 = tpu.vector_load %arg7[%swap3A_106, %swap3A_107] {strides = array<i32>} : memref<3x64xi32, #tpu.memory_space<vmem>>, vector<1x16xi32>,
    %swap3A_109 = vector.shape_cast %swap3A_108 : vector<1x16xi32> to vector<16xi32>
    %swap3A_110 = vector.shape_cast %get3A_104 : vector<16xi32> to vector<1x16xi32>
    tpu.vector_store %arg7[%swap3A_106, %swap3A_107], %swap3A_110 {strides = array<i32>} : memref<3x64xi32, #tpu.memory_space<vmem>>, vector<1x16xi32>,
    %get3A_111 = arith.constant 96 : index
    %get3A_112 = tpu.vector_load %arg6[%get3A_111] {strides = array<i32>} : memref<192xi32, #tpu.memory_space<vmem>>, vector<16xi32>,
    %get3A_113 = vector.shape_cast %get3A_112 : vector<16xi32> to vector<16xi32>
    %swap3A_114 = arith.constant 1 : i32
    %swap3A_115 = arith.index_cast %swap3A_114 : i32 to index
    %swap3A_116 = arith.constant 32 : index
    %swap3A_117 = tpu.vector_load %arg7[%swap3A_115, %swap3A_116] {strides = array<i32>} : memref<3x64xi32, #tpu.memory_space<vmem>>, vector<1x16xi32>,
    %swap3A_118 = vector.shape_cast %swap3A_117 : vector<1x16xi32> to vector<16xi32>
    %swap3A_119 = vector.shape_cast %get3A_113 : vector<16xi32> to vector<1x16xi32>
    tpu.vector_store %arg7[%swap3A_115, %swap3A_116], %swap3A_119 {strides = array<i32>} : memref<3x64xi32, #tpu.memory_space<vmem>>, vector<1x16xi32>,
    %get3A_120 = arith.constant 112 : index
    %get3A_121 = tpu.vector_load %arg6[%get3A_120] {strides = array<i32>} : memref<192xi32, #tpu.memory_space<vmem>>, vector<16xi32>,
    %get3A_122 = vector.shape_cast %get3A_121 : vector<16xi32> to vector<16xi32>
    %swap3A_123 = arith.constant 1 : i32
    %swap3A_124 = arith.index_cast %swap3A_123 : i32 to index
    %swap3A_125 = arith.constant 48 : index
    %swap3A_126 = tpu.vector_load %arg7[%swap3A_124, %swap3A_125] {strides = array<i32>} : memref<3x64xi32, #tpu.memory_space<vmem>>, vector<1x16xi32>,
    %swap3A_127 = vector.shape_cast %swap3A_126 : vector<1x16xi32> to vector<16xi32>
    %swap3A_128 = vector.shape_cast %get3A_122 : vector<16xi32> to vector<1x16xi32>
    tpu.vector_store %arg7[%swap3A_124, %swap3A_125], %swap3A_128 {strides = array<i32>} : memref<3x64xi32, #tpu.memory_space<vmem>>, vector<1x16xi32>,
    %get3A_129 = arith.constant 128 : index
    %get3A_130 = tpu.vector_load %arg6[%get3A_129] {strides = array<i32>} : memref<192xi32, #tpu.memory_space<vmem>>, vector<16xi32>,
    %get3A_131 = vector.shape_cast %get3A_130 : vector<16xi32> to vector<16xi32>
    %swap3A_132 = arith.constant 2 : i32
    %swap3A_133 = arith.index_cast %swap3A_132 : i32 to index
    %swap3A_134 = arith.constant 0 : index
    %swap3A_135 = tpu.vector_load %arg7[%swap3A_133, %swap3A_134] {strides = array<i32>} : memref<3x64xi32, #tpu.memory_space<vmem>>, vector<1x16xi32>,
    %swap3A_136 = vector.shape_cast %swap3A_135 : vector<1x16xi32> to vector<16xi32>
    %swap3A_137 = vector.shape_cast %get3A_131 : vector<16xi32> to vector<1x16xi32>
    tpu.vector_store %arg7[%swap3A_133, %swap3A_134], %swap3A_137 {strides = array<i32>} : memref<3x64xi32, #tpu.memory_space<vmem>>, vector<1x16xi32>,
    %get3A_138 = arith.constant 144 : index
    %get3A_139 = tpu.vector_load %arg6[%get3A_138] {strides = array<i32>} : memref<192xi32, #tpu.memory_space<vmem>>, vector<16xi32>,
    %get3A_140 = vector.shape_cast %get3A_139 : vector<16xi32> to vector<16xi32>
    %swap3A_141 = arith.constant 2 : i32
    %swap3A_142 = arith.index_cast %swap3A_141 : i32 to index
    %swap3A_143 = arith.constant 16 : index
    %swap3A_144 = tpu.vector_load %arg7[%swap3A_142, %swap3A_143] {strides = array<i32>} : memref<3x64xi32, #tpu.memory_space<vmem>>, vector<1x16xi32>,
    %swap3A_145 = vector.shape_cast %swap3A_144 : vector<1x16xi32> to vector<16xi32>
    %swap3A_146 = vector.shape_cast %get3A_140 : vector<16xi32> to vector<1x16xi32>
    tpu.vector_store %arg7[%swap3A_142, %swap3A_143], %swap3A_146 {strides = array<i32>} : memref<3x64xi32, #tpu.memory_space<vmem>>, vector<1x16xi32>,
    %get3A_147 = arith.constant 160 : index
    %get3A_148 = tpu.vector_load %arg6[%get3A_147] {strides = array<i32>} : memref<192xi32, #tpu.memory_space<vmem>>, vector<16xi32>,
    %get3A_149 = vector.shape_cast %get3A_148 : vector<16xi32> to vector<16xi32>
    %swap3A_150 = arith.constant 2 : i32
    %swap3A_151 = arith.index_cast %swap3A_150 : i32 to index
    %swap3A_152 = arith.constant 32 : index
    %swap3A_153 = tpu.vector_load %arg7[%swap3A_151, %swap3A_152] {strides = array<i32>} : memref<3x64xi32, #tpu.memory_space<vmem>>, vector<1x16xi32>,
    %swap3A_154 = vector.shape_cast %swap3A_153 : vector<1x16xi32> to vector<16xi32>
    %swap3A_155 = vector.shape_cast %get3A_149 : vector<16xi32> to vector<1x16xi32>
    tpu.vector_store %arg7[%swap3A_151, %swap3A_152], %swap3A_155 {strides = array<i32>} : memref<3x64xi32, #tpu.memory_space<vmem>>, vector<1x16xi32>,
    %get3A_156 = arith.constant 176 : index
    %get3A_157 = tpu.vector_load %arg6[%get3A_156] {strides = array<i32>} : memref<192xi32, #tpu.memory_space<vmem>>, vector<16xi32>,
    %get3A_158 = vector.shape_cast %get3A_157 : vector<16xi32> to vector<16xi32>
    %swap3A_159 = arith.constant 2 : i32
    %swap3A_160 = arith.index_cast %swap3A_159 : i32 to index
    %swap3A_161 = arith.constant 48 : index
    %swap3A_162 = tpu.vector_load %arg7[%swap3A_160, %swap3A_161] {strides = array<i32>} : memref<3x64xi32, #tpu.memory_space<vmem>>, vector<1x16xi32>,
    %swap3A_163 = vector.shape_cast %swap3A_162 : vector<1x16xi32> to vector<16xi32>
    %swap3A_164 = vector.shape_cast %get3A_158 : vector<16xi32> to vector<1x16xi32>
    tpu.vector_store %arg7[%swap3A_160, %swap3A_161], %swap3A_164 {strides = array<i32>} : memref<3x64xi32, #tpu.memory_space<vmem>>, vector<1x16xi32>,
    %broadcast_in_dim3A = arith.constant 0.000000e+00 : f32
    %broadcast_in_dim3A_165 = vector.broadcast %broadcast_in_dim3A : f32 to vector<16xf32>
    %swap3A_166 = arith.constant 0 : i32
    %swap3A_167 = arith.index_cast %swap3A_166 : i32 to index
    %swap3A_168 = arith.constant 0 : index
    %swap3A_169 = tpu.vector_load %arg8[%swap3A_167, %swap3A_168] {strides = array<i32>} : memref<8x128xf32, #tpu.memory_space<vmem>>, vector<1x16xf32>,
    %swap3A_170 = vector.shape_cast %swap3A_169 : vector<1x16xf32> to vector<16xf32>
    %swap3A_171 = vector.shape_cast %broadcast_in_dim3A_165 : vector<16xf32> to vector<1x16xf32>
    tpu.vector_store %arg8[%swap3A_167, %swap3A_168], %swap3A_171 {strides = array<i32>} : memref<8x128xf32, #tpu.memory_space<vmem>>, vector<1x16xf32>,
    %swap3A_172 = arith.constant 0 : i32
    %swap3A_173 = arith.index_cast %swap3A_172 : i32 to index
    %swap3A_174 = arith.constant 16 : index
    %swap3A_175 = tpu.vector_load %arg8[%swap3A_173, %swap3A_174] {strides = array<i32>} : memref<8x128xf32, #tpu.memory_space<vmem>>, vector<1x16xf32>,
    %swap3A_176 = vector.shape_cast %swap3A_175 : vector<1x16xf32> to vector<16xf32>
    %swap3A_177 = vector.shape_cast %broadcast_in_dim3A_165 : vector<16xf32> to vector<1x16xf32>
    tpu.vector_store %arg8[%swap3A_173, %swap3A_174], %swap3A_177 {strides = array<i32>} : memref<8x128xf32, #tpu.memory_space<vmem>>, vector<1x16xf32>,
    %swap3A_178 = arith.constant 0 : i32
    %swap3A_179 = arith.index_cast %swap3A_178 : i32 to index
    %swap3A_180 = arith.constant 32 : index
    %swap3A_181 = tpu.vector_load %arg8[%swap3A_179, %swap3A_180] {strides = array<i32>} : memref<8x128xf32, #tpu.memory_space<vmem>>, vector<1x16xf32>,
    %swap3A_182 = vector.shape_cast %swap3A_181 : vector<1x16xf32> to vector<16xf32>
    %swap3A_183 = vector.shape_cast %broadcast_in_dim3A_165 : vector<16xf32> to vector<1x16xf32>
    tpu.vector_store %arg8[%swap3A_179, %swap3A_180], %swap3A_183 {strides = array<i32>} : memref<8x128xf32, #tpu.memory_space<vmem>>, vector<1x16xf32>,
    %swap3A_184 = arith.constant 0 : i32
    %swap3A_185 = arith.index_cast %swap3A_184 : i32 to index
    %swap3A_186 = arith.constant 48 : index
    %swap3A_187 = tpu.vector_load %arg8[%swap3A_185, %swap3A_186] {strides = array<i32>} : memref<8x128xf32, #tpu.memory_space<vmem>>, vector<1x16xf32>,
    %swap3A_188 = vector.shape_cast %swap3A_187 : vector<1x16xf32> to vector<16xf32>
    %swap3A_189 = vector.shape_cast %broadcast_in_dim3A_165 : vector<16xf32> to vector<1x16xf32>
    tpu.vector_store %arg8[%swap3A_185, %swap3A_186], %swap3A_189 {strides = array<i32>} : memref<8x128xf32, #tpu.memory_space<vmem>>, vector<1x16xf32>,
    %swap3A_190 = arith.constant 0 : i32
    %swap3A_191 = arith.index_cast %swap3A_190 : i32 to index
    %swap3A_192 = arith.constant 64 : index
    %swap3A_193 = tpu.vector_load %arg8[%swap3A_191, %swap3A_192] {strides = array<i32>} : memref<8x128xf32, #tpu.memory_space<vmem>>, vector<1x16xf32>,
    %swap3A_194 = vector.shape_cast %swap3A_193 : vector<1x16xf32> to vector<16xf32>
    %swap3A_195 = vector.shape_cast %broadcast_in_dim3A_165 : vector<16xf32> to vector<1x16xf32>
    tpu.vector_store %arg8[%swap3A_191, %swap3A_192], %swap3A_195 {strides = array<i32>} : memref<8x128xf32, #tpu.memory_space<vmem>>, vector<1x16xf32>,
    %swap3A_196 = arith.constant 0 : i32
    %swap3A_197 = arith.index_cast %swap3A_196 : i32 to index
    %swap3A_198 = arith.constant 80 : index
    %swap3A_199 = tpu.vector_load %arg8[%swap3A_197, %swap3A_198] {strides = array<i32>} : memref<8x128xf32, #tpu.memory_space<vmem>>, vector<1x16xf32>,
    %swap3A_200 = vector.shape_cast %swap3A_199 : vector<1x16xf32> to vector<16xf32>
    %swap3A_201 = vector.shape_cast %broadcast_in_dim3A_165 : vector<16xf32> to vector<1x16xf32>
    tpu.vector_store %arg8[%swap3A_197, %swap3A_198], %swap3A_201 {strides = array<i32>} : memref<8x128xf32, #tpu.memory_space<vmem>>, vector<1x16xf32>,
    %swap3A_202 = arith.constant 0 : i32
    %swap3A_203 = arith.index_cast %swap3A_202 : i32 to index
    %swap3A_204 = arith.constant 96 : index
    %swap3A_205 = tpu.vector_load %arg8[%swap3A_203, %swap3A_204] {strides = array<i32>} : memref<8x128xf32, #tpu.memory_space<vmem>>, vector<1x16xf32>,
    %swap3A_206 = vector.shape_cast %swap3A_205 : vector<1x16xf32> to vector<16xf32>
    %swap3A_207 = vector.shape_cast %broadcast_in_dim3A_165 : vector<16xf32> to vector<1x16xf32>
    tpu.vector_store %arg8[%swap3A_203, %swap3A_204], %swap3A_207 {strides = array<i32>} : memref<8x128xf32, #tpu.memory_space<vmem>>, vector<1x16xf32>,
    %swap3A_208 = arith.constant 0 : i32
    %swap3A_209 = arith.index_cast %swap3A_208 : i32 to index
    %swap3A_210 = arith.constant 112 : index
    %swap3A_211 = tpu.vector_load %arg8[%swap3A_209, %swap3A_210] {strides = array<i32>} : memref<8x128xf32, #tpu.memory_space<vmem>>, vector<1x16xf32>,
    %swap3A_212 = vector.shape_cast %swap3A_211 : vector<1x16xf32> to vector<16xf32>
    %swap3A_213 = vector.shape_cast %broadcast_in_dim3A_165 : vector<16xf32> to vector<1x16xf32>
    tpu.vector_store %arg8[%swap3A_209, %swap3A_210], %swap3A_213 {strides = array<i32>} : memref<8x128xf32, #tpu.memory_space<vmem>>, vector<1x16xf32>,
    %swap3A_214 = arith.constant 1 : i32
    %swap3A_215 = arith.index_cast %swap3A_214 : i32 to index
    %swap3A_216 = arith.constant 0 : index
    %swap3A_217 = tpu.vector_load %arg8[%swap3A_215, %swap3A_216] {strides = array<i32>} : memref<8x128xf32, #tpu.memory_space<vmem>>, vector<1x16xf32>,
    %swap3A_218 = vector.shape_cast %swap3A_217 : vector<1x16xf32> to vector<16xf32>
    %swap3A_219 = vector.shape_cast %broadcast_in_dim3A_165 : vector<16xf32> to vector<1x16xf32>
    tpu.vector_store %arg8[%swap3A_215, %swap3A_216], %swap3A_219 {strides = array<i32>} : memref<8x128xf32, #tpu.memory_space<vmem>>, vector<1x16xf32>,
    %swap3A_220 = arith.constant 1 : i32
    %swap3A_221 = arith.index_cast %swap3A_220 : i32 to index
    %swap3A_222 = arith.constant 16 : index
    %swap3A_223 = tpu.vector_load %arg8[%swap3A_221, %swap3A_222] {strides = array<i32>} : memref<8x128xf32, #tpu.memory_space<vmem>>, vector<1x16xf32>,
    %swap3A_224 = vector.shape_cast %swap3A_223 : vector<1x16xf32> to vector<16xf32>
    %swap3A_225 = vector.shape_cast %broadcast_in_dim3A_165 : vector<16xf32> to vector<1x16xf32>
    tpu.vector_store %arg8[%swap3A_221, %swap3A_222], %swap3A_225 {strides = array<i32>} : memref<8x128xf32, #tpu.memory_space<vmem>>, vector<1x16xf32>,
    %swap3A_226 = arith.constant 1 : i32
    %swap3A_227 = arith.index_cast %swap3A_226 : i32 to index
    %swap3A_228 = arith.constant 32 : index
    %swap3A_229 = tpu.vector_load %arg8[%swap3A_227, %swap3A_228] {strides = array<i32>} : memref<8x128xf32, #tpu.memory_space<vmem>>, vector<1x16xf32>,
    %swap3A_230 = vector.shape_cast %swap3A_229 : vector<1x16xf32> to vector<16xf32>
    %swap3A_231 = vector.shape_cast %broadcast_in_dim3A_165 : vector<16xf32> to vector<1x16xf32>
    tpu.vector_store %arg8[%swap3A_227, %swap3A_228], %swap3A_231 {strides = array<i32>} : memref<8x128xf32, #tpu.memory_space<vmem>>, vector<1x16xf32>,
    %swap3A_232 = arith.constant 1 : i32
    %swap3A_233 = arith.index_cast %swap3A_232 : i32 to index
    %swap3A_234 = arith.constant 48 : index
    %swap3A_235 = tpu.vector_load %arg8[%swap3A_233, %swap3A_234] {strides = array<i32>} : memref<8x128xf32, #tpu.memory_space<vmem>>, vector<1x16xf32>,
    %swap3A_236 = vector.shape_cast %swap3A_235 : vector<1x16xf32> to vector<16xf32>
    %swap3A_237 = vector.shape_cast %broadcast_in_dim3A_165 : vector<16xf32> to vector<1x16xf32>
    tpu.vector_store %arg8[%swap3A_233, %swap3A_234], %swap3A_237 {strides = array<i32>} : memref<8x128xf32, #tpu.memory_space<vmem>>, vector<1x16xf32>,
    %swap3A_238 = arith.constant 1 : i32
    %swap3A_239 = arith.index_cast %swap3A_238 : i32 to index
    %swap3A_240 = arith.constant 64 : index
    %swap3A_241 = tpu.vector_load %arg8[%swap3A_239, %swap3A_240] {strides = array<i32>} : memref<8x128xf32, #tpu.memory_space<vmem>>, vector<1x16xf32>,
    %swap3A_242 = vector.shape_cast %swap3A_241 : vector<1x16xf32> to vector<16xf32>
    %swap3A_243 = vector.shape_cast %broadcast_in_dim3A_165 : vector<16xf32> to vector<1x16xf32>
    tpu.vector_store %arg8[%swap3A_239, %swap3A_240], %swap3A_243 {strides = array<i32>} : memref<8x128xf32, #tpu.memory_space<vmem>>, vector<1x16xf32>,
    %swap3A_244 = arith.constant 1 : i32
    %swap3A_245 = arith.index_cast %swap3A_244 : i32 to index
    %swap3A_246 = arith.constant 80 : index
    %swap3A_247 = tpu.vector_load %arg8[%swap3A_245, %swap3A_246] {strides = array<i32>} : memref<8x128xf32, #tpu.memory_space<vmem>>, vector<1x16xf32>,
    %swap3A_248 = vector.shape_cast %swap3A_247 : vector<1x16xf32> to vector<16xf32>
    %swap3A_249 = vector.shape_cast %broadcast_in_dim3A_165 : vector<16xf32> to vector<1x16xf32>
    tpu.vector_store %arg8[%swap3A_245, %swap3A_246], %swap3A_249 {strides = array<i32>} : memref<8x128xf32, #tpu.memory_space<vmem>>, vector<1x16xf32>,
    %swap3A_250 = arith.constant 1 : i32
    %swap3A_251 = arith.index_cast %swap3A_250 : i32 to index
    %swap3A_252 = arith.constant 96 : index
    %swap3A_253 = tpu.vector_load %arg8[%swap3A_251, %swap3A_252] {strides = array<i32>} : memref<8x128xf32, #tpu.memory_space<vmem>>, vector<1x16xf32>,
    %swap3A_254 = vector.shape_cast %swap3A_253 : vector<1x16xf32> to vector<16xf32>
    %swap3A_255 = vector.shape_cast %broadcast_in_dim3A_165 : vector<16xf32> to vector<1x16xf32>
    tpu.vector_store %arg8[%swap3A_251, %swap3A_252], %swap3A_255 {strides = array<i32>} : memref<8x128xf32, #tpu.memory_space<vmem>>, vector<1x16xf32>,
    %swap3A_256 = arith.constant 1 : i32
    %swap3A_257 = arith.index_cast %swap3A_256 : i32 to index
    %swap3A_258 = arith.constant 112 : index
    %swap3A_259 = tpu.vector_load %arg8[%swap3A_257, %swap3A_258] {strides = array<i32>} : memref<8x128xf32, #tpu.memory_space<vmem>>, vector<1x16xf32>,
    %swap3A_260 = vector.shape_cast %swap3A_259 : vector<1x16xf32> to vector<16xf32>
    %swap3A_261 = vector.shape_cast %broadcast_in_dim3A_165 : vector<16xf32> to vector<1x16xf32>
    tpu.vector_store %arg8[%swap3A_257, %swap3A_258], %swap3A_261 {strides = array<i32>} : memref<8x128xf32, #tpu.memory_space<vmem>>, vector<1x16xf32>,
    %swap3A_262 = arith.constant 2 : i32
    %swap3A_263 = arith.index_cast %swap3A_262 : i32 to index
    %swap3A_264 = arith.constant 0 : index
    %swap3A_265 = tpu.vector_load %arg8[%swap3A_263, %swap3A_264] {strides = array<i32>} : memref<8x128xf32, #tpu.memory_space<vmem>>, vector<1x16xf32>,
    %swap3A_266 = vector.shape_cast %swap3A_265 : vector<1x16xf32> to vector<16xf32>
    %swap3A_267 = vector.shape_cast %broadcast_in_dim3A_165 : vector<16xf32> to vector<1x16xf32>
    tpu.vector_store %arg8[%swap3A_263, %swap3A_264], %swap3A_267 {strides = array<i32>} : memref<8x128xf32, #tpu.memory_space<vmem>>, vector<1x16xf32>,
    %swap3A_268 = arith.constant 2 : i32
    %swap3A_269 = arith.index_cast %swap3A_268 : i32 to index
    %swap3A_270 = arith.constant 16 : index
    %swap3A_271 = tpu.vector_load %arg8[%swap3A_269, %swap3A_270] {strides = array<i32>} : memref<8x128xf32, #tpu.memory_space<vmem>>, vector<1x16xf32>,
    %swap3A_272 = vector.shape_cast %swap3A_271 : vector<1x16xf32> to vector<16xf32>
    %swap3A_273 = vector.shape_cast %broadcast_in_dim3A_165 : vector<16xf32> to vector<1x16xf32>
    tpu.vector_store %arg8[%swap3A_269, %swap3A_270], %swap3A_273 {strides = array<i32>} : memref<8x128xf32, #tpu.memory_space<vmem>>, vector<1x16xf32>,
    %swap3A_274 = arith.constant 2 : i32
    %swap3A_275 = arith.index_cast %swap3A_274 : i32 to index
    %swap3A_276 = arith.constant 32 : index
    %swap3A_277 = tpu.vector_load %arg8[%swap3A_275, %swap3A_276] {strides = array<i32>} : memref<8x128xf32, #tpu.memory_space<vmem>>, vector<1x16xf32>,
    %swap3A_278 = vector.shape_cast %swap3A_277 : vector<1x16xf32> to vector<16xf32>
    %swap3A_279 = vector.shape_cast %broadcast_in_dim3A_165 : vector<16xf32> to vector<1x16xf32>
    tpu.vector_store %arg8[%swap3A_275, %swap3A_276], %swap3A_279 {strides = array<i32>} : memref<8x128xf32, #tpu.memory_space<vmem>>, vector<1x16xf32>,
    %swap3A_280 = arith.constant 2 : i32
    %swap3A_281 = arith.index_cast %swap3A_280 : i32 to index
    %swap3A_282 = arith.constant 48 : index
    %swap3A_283 = tpu.vector_load %arg8[%swap3A_281, %swap3A_282] {strides = array<i32>} : memref<8x128xf32, #tpu.memory_space<vmem>>, vector<1x16xf32>,
    %swap3A_284 = vector.shape_cast %swap3A_283 : vector<1x16xf32> to vector<16xf32>
    %swap3A_285 = vector.shape_cast %broadcast_in_dim3A_165 : vector<16xf32> to vector<1x16xf32>
    tpu.vector_store %arg8[%swap3A_281, %swap3A_282], %swap3A_285 {strides = array<i32>} : memref<8x128xf32, #tpu.memory_space<vmem>>, vector<1x16xf32>,
    %swap3A_286 = arith.constant 2 : i32
    %swap3A_287 = arith.index_cast %swap3A_286 : i32 to index
    %swap3A_288 = arith.constant 64 : index
    %swap3A_289 = tpu.vector_load %arg8[%swap3A_287, %swap3A_288] {strides = array<i32>} : memref<8x128xf32, #tpu.memory_space<vmem>>, vector<1x16xf32>,
    %swap3A_290 = vector.shape_cast %swap3A_289 : vector<1x16xf32> to vector<16xf32>
    %swap3A_291 = vector.shape_cast %broadcast_in_dim3A_165 : vector<16xf32> to vector<1x16xf32>
    tpu.vector_store %arg8[%swap3A_287, %swap3A_288], %swap3A_291 {strides = array<i32>} : memref<8x128xf32, #tpu.memory_space<vmem>>, vector<1x16xf32>,
    %swap3A_292 = arith.constant 2 : i32
    %swap3A_293 = arith.index_cast %swap3A_292 : i32 to index
    %swap3A_294 = arith.constant 80 : index
    %swap3A_295 = tpu.vector_load %arg8[%swap3A_293, %swap3A_294] {strides = array<i32>} : memref<8x128xf32, #tpu.memory_space<vmem>>, vector<1x16xf32>,
    %swap3A_296 = vector.shape_cast %swap3A_295 : vector<1x16xf32> to vector<16xf32>
    %swap3A_297 = vector.shape_cast %broadcast_in_dim3A_165 : vector<16xf32> to vector<1x16xf32>
    tpu.vector_store %arg8[%swap3A_293, %swap3A_294], %swap3A_297 {strides = array<i32>} : memref<8x128xf32, #tpu.memory_space<vmem>>, vector<1x16xf32>,
    %swap3A_298 = arith.constant 2 : i32
    %swap3A_299 = arith.index_cast %swap3A_298 : i32 to index
    %swap3A_300 = arith.constant 96 : index
    %swap3A_301 = tpu.vector_load %arg8[%swap3A_299, %swap3A_300] {strides = array<i32>} : memref<8x128xf32, #tpu.memory_space<vmem>>, vector<1x16xf32>,
    %swap3A_302 = vector.shape_cast %swap3A_301 : vector<1x16xf32> to vector<16xf32>
    %swap3A_303 = vector.shape_cast %broadcast_in_dim3A_165 : vector<16xf32> to vector<1x16xf32>
    tpu.vector_store %arg8[%swap3A_299, %swap3A_300], %swap3A_303 {strides = array<i32>} : memref<8x128xf32, #tpu.memory_space<vmem>>, vector<1x16xf32>,
    %swap3A_304 = arith.constant 2 : i32
    %swap3A_305 = arith.index_cast %swap3A_304 : i32 to index
    %swap3A_306 = arith.constant 112 : index
    %swap3A_307 = tpu.vector_load %arg8[%swap3A_305, %swap3A_306] {strides = array<i32>} : memref<8x128xf32, #tpu.memory_space<vmem>>, vector<1x16xf32>,
    %swap3A_308 = vector.shape_cast %swap3A_307 : vector<1x16xf32> to vector<16xf32>
    %swap3A_309 = vector.shape_cast %broadcast_in_dim3A_165 : vector<16xf32> to vector<1x16xf32>
    tpu.vector_store %arg8[%swap3A_305, %swap3A_306], %swap3A_309 {strides = array<i32>} : memref<8x128xf32, #tpu.memory_space<vmem>>, vector<1x16xf32>,
    %swap3A_310 = arith.constant 3 : i32
    %swap3A_311 = arith.index_cast %swap3A_310 : i32 to index
    %swap3A_312 = arith.constant 0 : index
    %swap3A_313 = tpu.vector_load %arg8[%swap3A_311, %swap3A_312] {strides = array<i32>} : memref<8x128xf32, #tpu.memory_space<vmem>>, vector<1x16xf32>,
    %swap3A_314 = vector.shape_cast %swap3A_313 : vector<1x16xf32> to vector<16xf32>
    %swap3A_315 = vector.shape_cast %broadcast_in_dim3A_165 : vector<16xf32> to vector<1x16xf32>
    tpu.vector_store %arg8[%swap3A_311, %swap3A_312], %swap3A_315 {strides = array<i32>} : memref<8x128xf32, #tpu.memory_space<vmem>>, vector<1x16xf32>,
    %swap3A_316 = arith.constant 3 : i32
    %swap3A_317 = arith.index_cast %swap3A_316 : i32 to index
    %swap3A_318 = arith.constant 16 : index
    %swap3A_319 = tpu.vector_load %arg8[%swap3A_317, %swap3A_318] {strides = array<i32>} : memref<8x128xf32, #tpu.memory_space<vmem>>, vector<1x16xf32>,
    %swap3A_320 = vector.shape_cast %swap3A_319 : vector<1x16xf32> to vector<16xf32>
    %swap3A_321 = vector.shape_cast %broadcast_in_dim3A_165 : vector<16xf32> to vector<1x16xf32>
    tpu.vector_store %arg8[%swap3A_317, %swap3A_318], %swap3A_321 {strides = array<i32>} : memref<8x128xf32, #tpu.memory_space<vmem>>, vector<1x16xf32>,
    %swap3A_322 = arith.constant 3 : i32
    %swap3A_323 = arith.index_cast %swap3A_322 : i32 to index
    %swap3A_324 = arith.constant 32 : index
    %swap3A_325 = tpu.vector_load %arg8[%swap3A_323, %swap3A_324] {strides = array<i32>} : memref<8x128xf32, #tpu.memory_space<vmem>>, vector<1x16xf32>,
    %swap3A_326 = vector.shape_cast %swap3A_325 : vector<1x16xf32> to vector<16xf32>
    %swap3A_327 = vector.shape_cast %broadcast_in_dim3A_165 : vector<16xf32> to vector<1x16xf32>
    tpu.vector_store %arg8[%swap3A_323, %swap3A_324], %swap3A_327 {strides = array<i32>} : memref<8x128xf32, #tpu.memory_space<vmem>>, vector<1x16xf32>,
    %swap3A_328 = arith.constant 3 : i32
    %swap3A_329 = arith.index_cast %swap3A_328 : i32 to index
    %swap3A_330 = arith.constant 48 : index
    %swap3A_331 = tpu.vector_load %arg8[%swap3A_329, %swap3A_330] {strides = array<i32>} : memref<8x128xf32, #tpu.memory_space<vmem>>, vector<1x16xf32>,
    %swap3A_332 = vector.shape_cast %swap3A_331 : vector<1x16xf32> to vector<16xf32>
    %swap3A_333 = vector.shape_cast %broadcast_in_dim3A_165 : vector<16xf32> to vector<1x16xf32>
    tpu.vector_store %arg8[%swap3A_329, %swap3A_330], %swap3A_333 {strides = array<i32>} : memref<8x128xf32, #tpu.memory_space<vmem>>, vector<1x16xf32>,
    %swap3A_334 = arith.constant 3 : i32
    %swap3A_335 = arith.index_cast %swap3A_334 : i32 to index
    %swap3A_336 = arith.constant 64 : index
    %swap3A_337 = tpu.vector_load %arg8[%swap3A_335, %swap3A_336] {strides = array<i32>} : memref<8x128xf32, #tpu.memory_space<vmem>>, vector<1x16xf32>,
    %swap3A_338 = vector.shape_cast %swap3A_337 : vector<1x16xf32> to vector<16xf32>
    %swap3A_339 = vector.shape_cast %broadcast_in_dim3A_165 : vector<16xf32> to vector<1x16xf32>
    tpu.vector_store %arg8[%swap3A_335, %swap3A_336], %swap3A_339 {strides = array<i32>} : memref<8x128xf32, #tpu.memory_space<vmem>>, vector<1x16xf32>,
    %swap3A_340 = arith.constant 3 : i32
    %swap3A_341 = arith.index_cast %swap3A_340 : i32 to index
    %swap3A_342 = arith.constant 80 : index
    %swap3A_343 = tpu.vector_load %arg8[%swap3A_341, %swap3A_342] {strides = array<i32>} : memref<8x128xf32, #tpu.memory_space<vmem>>, vector<1x16xf32>,
    %swap3A_344 = vector.shape_cast %swap3A_343 : vector<1x16xf32> to vector<16xf32>
    %swap3A_345 = vector.shape_cast %broadcast_in_dim3A_165 : vector<16xf32> to vector<1x16xf32>
    tpu.vector_store %arg8[%swap3A_341, %swap3A_342], %swap3A_345 {strides = array<i32>} : memref<8x128xf32, #tpu.memory_space<vmem>>, vector<1x16xf32>,
    %swap3A_346 = arith.constant 3 : i32
    %swap3A_347 = arith.index_cast %swap3A_346 : i32 to index
    %swap3A_348 = arith.constant 96 : index
    %swap3A_349 = tpu.vector_load %arg8[%swap3A_347, %swap3A_348] {strides = array<i32>} : memref<8x128xf32, #tpu.memory_space<vmem>>, vector<1x16xf32>,
    %swap3A_350 = vector.shape_cast %swap3A_349 : vector<1x16xf32> to vector<16xf32>
    %swap3A_351 = vector.shape_cast %broadcast_in_dim3A_165 : vector<16xf32> to vector<1x16xf32>
    tpu.vector_store %arg8[%swap3A_347, %swap3A_348], %swap3A_351 {strides = array<i32>} : memref<8x128xf32, #tpu.memory_space<vmem>>, vector<1x16xf32>,
    %swap3A_352 = arith.constant 3 : i32
    %swap3A_353 = arith.index_cast %swap3A_352 : i32 to index
    %swap3A_354 = arith.constant 112 : index
    %swap3A_355 = tpu.vector_load %arg8[%swap3A_353, %swap3A_354] {strides = array<i32>} : memref<8x128xf32, #tpu.memory_space<vmem>>, vector<1x16xf32>,
    %swap3A_356 = vector.shape_cast %swap3A_355 : vector<1x16xf32> to vector<16xf32>
    %swap3A_357 = vector.shape_cast %broadcast_in_dim3A_165 : vector<16xf32> to vector<1x16xf32>
    tpu.vector_store %arg8[%swap3A_353, %swap3A_354], %swap3A_357 {strides = array<i32>} : memref<8x128xf32, #tpu.memory_space<vmem>>, vector<1x16xf32>,
    %swap3A_358 = arith.constant 4 : i32
    %swap3A_359 = arith.index_cast %swap3A_358 : i32 to index
    %swap3A_360 = arith.constant 0 : index
    %swap3A_361 = tpu.vector_load %arg8[%swap3A_359, %swap3A_360] {strides = array<i32>} : memref<8x128xf32, #tpu.memory_space<vmem>>, vector<1x16xf32>,
    %swap3A_362 = vector.shape_cast %swap3A_361 : vector<1x16xf32> to vector<16xf32>
    %swap3A_363 = vector.shape_cast %broadcast_in_dim3A_165 : vector<16xf32> to vector<1x16xf32>
    tpu.vector_store %arg8[%swap3A_359, %swap3A_360], %swap3A_363 {strides = array<i32>} : memref<8x128xf32, #tpu.memory_space<vmem>>, vector<1x16xf32>,
    %swap3A_364 = arith.constant 4 : i32
    %swap3A_365 = arith.index_cast %swap3A_364 : i32 to index
    %swap3A_366 = arith.constant 16 : index
    %swap3A_367 = tpu.vector_load %arg8[%swap3A_365, %swap3A_366] {strides = array<i32>} : memref<8x128xf32, #tpu.memory_space<vmem>>, vector<1x16xf32>,
    %swap3A_368 = vector.shape_cast %swap3A_367 : vector<1x16xf32> to vector<16xf32>
    %swap3A_369 = vector.shape_cast %broadcast_in_dim3A_165 : vector<16xf32> to vector<1x16xf32>
    tpu.vector_store %arg8[%swap3A_365, %swap3A_366], %swap3A_369 {strides = array<i32>} : memref<8x128xf32, #tpu.memory_space<vmem>>, vector<1x16xf32>,
    %swap3A_370 = arith.constant 4 : i32
    %swap3A_371 = arith.index_cast %swap3A_370 : i32 to index
    %swap3A_372 = arith.constant 32 : index
    %swap3A_373 = tpu.vector_load %arg8[%swap3A_371, %swap3A_372] {strides = array<i32>} : memref<8x128xf32, #tpu.memory_space<vmem>>, vector<1x16xf32>,
    %swap3A_374 = vector.shape_cast %swap3A_373 : vector<1x16xf32> to vector<16xf32>
    %swap3A_375 = vector.shape_cast %broadcast_in_dim3A_165 : vector<16xf32> to vector<1x16xf32>
    tpu.vector_store %arg8[%swap3A_371, %swap3A_372], %swap3A_375 {strides = array<i32>} : memref<8x128xf32, #tpu.memory_space<vmem>>, vector<1x16xf32>,
    %swap3A_376 = arith.constant 4 : i32
    %swap3A_377 = arith.index_cast %swap3A_376 : i32 to index
    %swap3A_378 = arith.constant 48 : index
    %swap3A_379 = tpu.vector_load %arg8[%swap3A_377, %swap3A_378] {strides = array<i32>} : memref<8x128xf32, #tpu.memory_space<vmem>>, vector<1x16xf32>,
    %swap3A_380 = vector.shape_cast %swap3A_379 : vector<1x16xf32> to vector<16xf32>
    %swap3A_381 = vector.shape_cast %broadcast_in_dim3A_165 : vector<16xf32> to vector<1x16xf32>
    tpu.vector_store %arg8[%swap3A_377, %swap3A_378], %swap3A_381 {strides = array<i32>} : memref<8x128xf32, #tpu.memory_space<vmem>>, vector<1x16xf32>,
    %swap3A_382 = arith.constant 4 : i32
    %swap3A_383 = arith.index_cast %swap3A_382 : i32 to index
    %swap3A_384 = arith.constant 64 : index
    %swap3A_385 = tpu.vector_load %arg8[%swap3A_383, %swap3A_384] {strides = array<i32>} : memref<8x128xf32, #tpu.memory_space<vmem>>, vector<1x16xf32>,
    %swap3A_386 = vector.shape_cast %swap3A_385 : vector<1x16xf32> to vector<16xf32>
    %swap3A_387 = vector.shape_cast %broadcast_in_dim3A_165 : vector<16xf32> to vector<1x16xf32>
    tpu.vector_store %arg8[%swap3A_383, %swap3A_384], %swap3A_387 {strides = array<i32>} : memref<8x128xf32, #tpu.memory_space<vmem>>, vector<1x16xf32>,
    %swap3A_388 = arith.constant 4 : i32
    %swap3A_389 = arith.index_cast %swap3A_388 : i32 to index
    %swap3A_390 = arith.constant 80 : index
    %swap3A_391 = tpu.vector_load %arg8[%swap3A_389, %swap3A_390] {strides = array<i32>} : memref<8x128xf32, #tpu.memory_space<vmem>>, vector<1x16xf32>,
    %swap3A_392 = vector.shape_cast %swap3A_391 : vector<1x16xf32> to vector<16xf32>
    %swap3A_393 = vector.shape_cast %broadcast_in_dim3A_165 : vector<16xf32> to vector<1x16xf32>
    tpu.vector_store %arg8[%swap3A_389, %swap3A_390], %swap3A_393 {strides = array<i32>} : memref<8x128xf32, #tpu.memory_space<vmem>>, vector<1x16xf32>,
    %swap3A_394 = arith.constant 4 : i32
    %swap3A_395 = arith.index_cast %swap3A_394 : i32 to index
    %swap3A_396 = arith.constant 96 : index
    %swap3A_397 = tpu.vector_load %arg8[%swap3A_395, %swap3A_396] {strides = array<i32>} : memref<8x128xf32, #tpu.memory_space<vmem>>, vector<1x16xf32>,
    %swap3A_398 = vector.shape_cast %swap3A_397 : vector<1x16xf32> to vector<16xf32>
    %swap3A_399 = vector.shape_cast %broadcast_in_dim3A_165 : vector<16xf32> to vector<1x16xf32>
    tpu.vector_store %arg8[%swap3A_395, %swap3A_396], %swap3A_399 {strides = array<i32>} : memref<8x128xf32, #tpu.memory_space<vmem>>, vector<1x16xf32>,
    %swap3A_400 = arith.constant 4 : i32
    %swap3A_401 = arith.index_cast %swap3A_400 : i32 to index
    %swap3A_402 = arith.constant 112 : index
    %swap3A_403 = tpu.vector_load %arg8[%swap3A_401, %swap3A_402] {strides = array<i32>} : memref<8x128xf32, #tpu.memory_space<vmem>>, vector<1x16xf32>,
    %swap3A_404 = vector.shape_cast %swap3A_403 : vector<1x16xf32> to vector<16xf32>
    %swap3A_405 = vector.shape_cast %broadcast_in_dim3A_165 : vector<16xf32> to vector<1x16xf32>
    tpu.vector_store %arg8[%swap3A_401, %swap3A_402], %swap3A_405 {strides = array<i32>} : memref<8x128xf32, #tpu.memory_space<vmem>>, vector<1x16xf32>,
    %swap3A_406 = arith.constant 5 : i32
    %swap3A_407 = arith.index_cast %swap3A_406 : i32 to index
    %swap3A_408 = arith.constant 0 : index
    %swap3A_409 = tpu.vector_load %arg8[%swap3A_407, %swap3A_408] {strides = array<i32>} : memref<8x128xf32, #tpu.memory_space<vmem>>, vector<1x16xf32>,
    %swap3A_410 = vector.shape_cast %swap3A_409 : vector<1x16xf32> to vector<16xf32>
    %swap3A_411 = vector.shape_cast %broadcast_in_dim3A_165 : vector<16xf32> to vector<1x16xf32>
    tpu.vector_store %arg8[%swap3A_407, %swap3A_408], %swap3A_411 {strides = array<i32>} : memref<8x128xf32, #tpu.memory_space<vmem>>, vector<1x16xf32>,
    %swap3A_412 = arith.constant 5 : i32
    %swap3A_413 = arith.index_cast %swap3A_412 : i32 to index
    %swap3A_414 = arith.constant 16 : index
    %swap3A_415 = tpu.vector_load %arg8[%swap3A_413, %swap3A_414] {strides = array<i32>} : memref<8x128xf32, #tpu.memory_space<vmem>>, vector<1x16xf32>,
    %swap3A_416 = vector.shape_cast %swap3A_415 : vector<1x16xf32> to vector<16xf32>
    %swap3A_417 = vector.shape_cast %broadcast_in_dim3A_165 : vector<16xf32> to vector<1x16xf32>
    tpu.vector_store %arg8[%swap3A_413, %swap3A_414], %swap3A_417 {strides = array<i32>} : memref<8x128xf32, #tpu.memory_space<vmem>>, vector<1x16xf32>,
    %swap3A_418 = arith.constant 5 : i32
    %swap3A_419 = arith.index_cast %swap3A_418 : i32 to index
    %swap3A_420 = arith.constant 32 : index
    %swap3A_421 = tpu.vector_load %arg8[%swap3A_419, %swap3A_420] {strides = array<i32>} : memref<8x128xf32, #tpu.memory_space<vmem>>, vector<1x16xf32>,
    %swap3A_422 = vector.shape_cast %swap3A_421 : vector<1x16xf32> to vector<16xf32>
    %swap3A_423 = vector.shape_cast %broadcast_in_dim3A_165 : vector<16xf32> to vector<1x16xf32>
    tpu.vector_store %arg8[%swap3A_419, %swap3A_420], %swap3A_423 {strides = array<i32>} : memref<8x128xf32, #tpu.memory_space<vmem>>, vector<1x16xf32>,
    %swap3A_424 = arith.constant 5 : i32
    %swap3A_425 = arith.index_cast %swap3A_424 : i32 to index
    %swap3A_426 = arith.constant 48 : index
    %swap3A_427 = tpu.vector_load %arg8[%swap3A_425, %swap3A_426] {strides = array<i32>} : memref<8x128xf32, #tpu.memory_space<vmem>>, vector<1x16xf32>,
    %swap3A_428 = vector.shape_cast %swap3A_427 : vector<1x16xf32> to vector<16xf32>
    %swap3A_429 = vector.shape_cast %broadcast_in_dim3A_165 : vector<16xf32> to vector<1x16xf32>
    tpu.vector_store %arg8[%swap3A_425, %swap3A_426], %swap3A_429 {strides = array<i32>} : memref<8x128xf32, #tpu.memory_space<vmem>>, vector<1x16xf32>,
    %swap3A_430 = arith.constant 5 : i32
    %swap3A_431 = arith.index_cast %swap3A_430 : i32 to index
    %swap3A_432 = arith.constant 64 : index
    %swap3A_433 = tpu.vector_load %arg8[%swap3A_431, %swap3A_432] {strides = array<i32>} : memref<8x128xf32, #tpu.memory_space<vmem>>, vector<1x16xf32>,
    %swap3A_434 = vector.shape_cast %swap3A_433 : vector<1x16xf32> to vector<16xf32>
    %swap3A_435 = vector.shape_cast %broadcast_in_dim3A_165 : vector<16xf32> to vector<1x16xf32>
    tpu.vector_store %arg8[%swap3A_431, %swap3A_432], %swap3A_435 {strides = array<i32>} : memref<8x128xf32, #tpu.memory_space<vmem>>, vector<1x16xf32>,
    %swap3A_436 = arith.constant 5 : i32
    %swap3A_437 = arith.index_cast %swap3A_436 : i32 to index
    %swap3A_438 = arith.constant 80 : index
    %swap3A_439 = tpu.vector_load %arg8[%swap3A_437, %swap3A_438] {strides = array<i32>} : memref<8x128xf32, #tpu.memory_space<vmem>>, vector<1x16xf32>,
    %swap3A_440 = vector.shape_cast %swap3A_439 : vector<1x16xf32> to vector<16xf32>
    %swap3A_441 = vector.shape_cast %broadcast_in_dim3A_165 : vector<16xf32> to vector<1x16xf32>
    tpu.vector_store %arg8[%swap3A_437, %swap3A_438], %swap3A_441 {strides = array<i32>} : memref<8x128xf32, #tpu.memory_space<vmem>>, vector<1x16xf32>,
    %swap3A_442 = arith.constant 5 : i32
    %swap3A_443 = arith.index_cast %swap3A_442 : i32 to index
    %swap3A_444 = arith.constant 96 : index
    %swap3A_445 = tpu.vector_load %arg8[%swap3A_443, %swap3A_444] {strides = array<i32>} : memref<8x128xf32, #tpu.memory_space<vmem>>, vector<1x16xf32>,
    %swap3A_446 = vector.shape_cast %swap3A_445 : vector<1x16xf32> to vector<16xf32>
    %swap3A_447 = vector.shape_cast %broadcast_in_dim3A_165 : vector<16xf32> to vector<1x16xf32>
    tpu.vector_store %arg8[%swap3A_443, %swap3A_444], %swap3A_447 {strides = array<i32>} : memref<8x128xf32, #tpu.memory_space<vmem>>, vector<1x16xf32>,
    %swap3A_448 = arith.constant 5 : i32
    %swap3A_449 = arith.index_cast %swap3A_448 : i32 to index
    %swap3A_450 = arith.constant 112 : index
    %swap3A_451 = tpu.vector_load %arg8[%swap3A_449, %swap3A_450] {strides = array<i32>} : memref<8x128xf32, #tpu.memory_space<vmem>>, vector<1x16xf32>,
    %swap3A_452 = vector.shape_cast %swap3A_451 : vector<1x16xf32> to vector<16xf32>
    %swap3A_453 = vector.shape_cast %broadcast_in_dim3A_165 : vector<16xf32> to vector<1x16xf32>
    tpu.vector_store %arg8[%swap3A_449, %swap3A_450], %swap3A_453 {strides = array<i32>} : memref<8x128xf32, #tpu.memory_space<vmem>>, vector<1x16xf32>,
    %swap3A_454 = arith.constant 6 : i32
    %swap3A_455 = arith.index_cast %swap3A_454 : i32 to index
    %swap3A_456 = arith.constant 0 : index
    %swap3A_457 = tpu.vector_load %arg8[%swap3A_455, %swap3A_456] {strides = array<i32>} : memref<8x128xf32, #tpu.memory_space<vmem>>, vector<1x16xf32>,
    %swap3A_458 = vector.shape_cast %swap3A_457 : vector<1x16xf32> to vector<16xf32>
    %swap3A_459 = vector.shape_cast %broadcast_in_dim3A_165 : vector<16xf32> to vector<1x16xf32>
    tpu.vector_store %arg8[%swap3A_455, %swap3A_456], %swap3A_459 {strides = array<i32>} : memref<8x128xf32, #tpu.memory_space<vmem>>, vector<1x16xf32>,
    %swap3A_460 = arith.constant 6 : i32
    %swap3A_461 = arith.index_cast %swap3A_460 : i32 to index
    %swap3A_462 = arith.constant 16 : index
    %swap3A_463 = tpu.vector_load %arg8[%swap3A_461, %swap3A_462] {strides = array<i32>} : memref<8x128xf32, #tpu.memory_space<vmem>>, vector<1x16xf32>,
    %swap3A_464 = vector.shape_cast %swap3A_463 : vector<1x16xf32> to vector<16xf32>
    %swap3A_465 = vector.shape_cast %broadcast_in_dim3A_165 : vector<16xf32> to vector<1x16xf32>
    tpu.vector_store %arg8[%swap3A_461, %swap3A_462], %swap3A_465 {strides = array<i32>} : memref<8x128xf32, #tpu.memory_space<vmem>>, vector<1x16xf32>,
    %swap3A_466 = arith.constant 6 : i32
    %swap3A_467 = arith.index_cast %swap3A_466 : i32 to index
    %swap3A_468 = arith.constant 32 : index
    %swap3A_469 = tpu.vector_load %arg8[%swap3A_467, %swap3A_468] {strides = array<i32>} : memref<8x128xf32, #tpu.memory_space<vmem>>, vector<1x16xf32>,
    %swap3A_470 = vector.shape_cast %swap3A_469 : vector<1x16xf32> to vector<16xf32>
    %swap3A_471 = vector.shape_cast %broadcast_in_dim3A_165 : vector<16xf32> to vector<1x16xf32>
    tpu.vector_store %arg8[%swap3A_467, %swap3A_468], %swap3A_471 {strides = array<i32>} : memref<8x128xf32, #tpu.memory_space<vmem>>, vector<1x16xf32>,
    %swap3A_472 = arith.constant 6 : i32
    %swap3A_473 = arith.index_cast %swap3A_472 : i32 to index
    %swap3A_474 = arith.constant 48 : index
    %swap3A_475 = tpu.vector_load %arg8[%swap3A_473, %swap3A_474] {strides = array<i32>} : memref<8x128xf32, #tpu.memory_space<vmem>>, vector<1x16xf32>,
    %swap3A_476 = vector.shape_cast %swap3A_475 : vector<1x16xf32> to vector<16xf32>
    %swap3A_477 = vector.shape_cast %broadcast_in_dim3A_165 : vector<16xf32> to vector<1x16xf32>
    tpu.vector_store %arg8[%swap3A_473, %swap3A_474], %swap3A_477 {strides = array<i32>} : memref<8x128xf32, #tpu.memory_space<vmem>>, vector<1x16xf32>,
    %swap3A_478 = arith.constant 6 : i32
    %swap3A_479 = arith.index_cast %swap3A_478 : i32 to index
    %swap3A_480 = arith.constant 64 : index
    %swap3A_481 = tpu.vector_load %arg8[%swap3A_479, %swap3A_480] {strides = array<i32>} : memref<8x128xf32, #tpu.memory_space<vmem>>, vector<1x16xf32>,
    %swap3A_482 = vector.shape_cast %swap3A_481 : vector<1x16xf32> to vector<16xf32>
    %swap3A_483 = vector.shape_cast %broadcast_in_dim3A_165 : vector<16xf32> to vector<1x16xf32>
    tpu.vector_store %arg8[%swap3A_479, %swap3A_480], %swap3A_483 {strides = array<i32>} : memref<8x128xf32, #tpu.memory_space<vmem>>, vector<1x16xf32>,
    %swap3A_484 = arith.constant 6 : i32
    %swap3A_485 = arith.index_cast %swap3A_484 : i32 to index
    %swap3A_486 = arith.constant 80 : index
    %swap3A_487 = tpu.vector_load %arg8[%swap3A_485, %swap3A_486] {strides = array<i32>} : memref<8x128xf32, #tpu.memory_space<vmem>>, vector<1x16xf32>,
    %swap3A_488 = vector.shape_cast %swap3A_487 : vector<1x16xf32> to vector<16xf32>
    %swap3A_489 = vector.shape_cast %broadcast_in_dim3A_165 : vector<16xf32> to vector<1x16xf32>
    tpu.vector_store %arg8[%swap3A_485, %swap3A_486], %swap3A_489 {strides = array<i32>} : memref<8x128xf32, #tpu.memory_space<vmem>>, vector<1x16xf32>,
    %swap3A_490 = arith.constant 6 : i32
    %swap3A_491 = arith.index_cast %swap3A_490 : i32 to index
    %swap3A_492 = arith.constant 96 : index
    %swap3A_493 = tpu.vector_load %arg8[%swap3A_491, %swap3A_492] {strides = array<i32>} : memref<8x128xf32, #tpu.memory_space<vmem>>, vector<1x16xf32>,
    %swap3A_494 = vector.shape_cast %swap3A_493 : vector<1x16xf32> to vector<16xf32>
    %swap3A_495 = vector.shape_cast %broadcast_in_dim3A_165 : vector<16xf32> to vector<1x16xf32>
    tpu.vector_store %arg8[%swap3A_491, %swap3A_492], %swap3A_495 {strides = array<i32>} : memref<8x128xf32, #tpu.memory_space<vmem>>, vector<1x16xf32>,
    %swap3A_496 = arith.constant 6 : i32
    %swap3A_497 = arith.index_cast %swap3A_496 : i32 to index
    %swap3A_498 = arith.constant 112 : index
    %swap3A_499 = tpu.vector_load %arg8[%swap3A_497, %swap3A_498] {strides = array<i32>} : memref<8x128xf32, #tpu.memory_space<vmem>>, vector<1x16xf32>,
    %swap3A_500 = vector.shape_cast %swap3A_499 : vector<1x16xf32> to vector<16xf32>
    %swap3A_501 = vector.shape_cast %broadcast_in_dim3A_165 : vector<16xf32> to vector<1x16xf32>
    tpu.vector_store %arg8[%swap3A_497, %swap3A_498], %swap3A_501 {strides = array<i32>} : memref<8x128xf32, #tpu.memory_space<vmem>>, vector<1x16xf32>,
    %swap3A_502 = arith.constant 7 : i32
    %swap3A_503 = arith.index_cast %swap3A_502 : i32 to index
    %swap3A_504 = arith.constant 0 : index
    %swap3A_505 = tpu.vector_load %arg8[%swap3A_503, %swap3A_504] {strides = array<i32>} : memref<8x128xf32, #tpu.memory_space<vmem>>, vector<1x16xf32>,
    %swap3A_506 = vector.shape_cast %swap3A_505 : vector<1x16xf32> to vector<16xf32>
    %swap3A_507 = vector.shape_cast %broadcast_in_dim3A_165 : vector<16xf32> to vector<1x16xf32>
    tpu.vector_store %arg8[%swap3A_503, %swap3A_504], %swap3A_507 {strides = array<i32>} : memref<8x128xf32, #tpu.memory_space<vmem>>, vector<1x16xf32>,
    %swap3A_508 = arith.constant 7 : i32
    %swap3A_509 = arith.index_cast %swap3A_508 : i32 to index
    %swap3A_510 = arith.constant 16 : index
    %swap3A_511 = tpu.vector_load %arg8[%swap3A_509, %swap3A_510] {strides = array<i32>} : memref<8x128xf32, #tpu.memory_space<vmem>>, vector<1x16xf32>,
    %swap3A_512 = vector.shape_cast %swap3A_511 : vector<1x16xf32> to vector<16xf32>
    %swap3A_513 = vector.shape_cast %broadcast_in_dim3A_165 : vector<16xf32> to vector<1x16xf32>
    tpu.vector_store %arg8[%swap3A_509, %swap3A_510], %swap3A_513 {strides = array<i32>} : memref<8x128xf32, #tpu.memory_space<vmem>>, vector<1x16xf32>,
    %swap3A_514 = arith.constant 7 : i32
    %swap3A_515 = arith.index_cast %swap3A_514 : i32 to index
    %swap3A_516 = arith.constant 32 : index
    %swap3A_517 = tpu.vector_load %arg8[%swap3A_515, %swap3A_516] {strides = array<i32>} : memref<8x128xf32, #tpu.memory_space<vmem>>, vector<1x16xf32>,
    %swap3A_518 = vector.shape_cast %swap3A_517 : vector<1x16xf32> to vector<16xf32>
    %swap3A_519 = vector.shape_cast %broadcast_in_dim3A_165 : vector<16xf32> to vector<1x16xf32>
    tpu.vector_store %arg8[%swap3A_515, %swap3A_516], %swap3A_519 {strides = array<i32>} : memref<8x128xf32, #tpu.memory_space<vmem>>, vector<1x16xf32>,
    %swap3A_520 = arith.constant 7 : i32
    %swap3A_521 = arith.index_cast %swap3A_520 : i32 to index
    %swap3A_522 = arith.constant 48 : index
    %swap3A_523 = tpu.vector_load %arg8[%swap3A_521, %swap3A_522] {strides = array<i32>} : memref<8x128xf32, #tpu.memory_space<vmem>>, vector<1x16xf32>,
    %swap3A_524 = vector.shape_cast %swap3A_523 : vector<1x16xf32> to vector<16xf32>
    %swap3A_525 = vector.shape_cast %broadcast_in_dim3A_165 : vector<16xf32> to vector<1x16xf32>
    tpu.vector_store %arg8[%swap3A_521, %swap3A_522], %swap3A_525 {strides = array<i32>} : memref<8x128xf32, #tpu.memory_space<vmem>>, vector<1x16xf32>,
    %swap3A_526 = arith.constant 7 : i32
    %swap3A_527 = arith.index_cast %swap3A_526 : i32 to index
    %swap3A_528 = arith.constant 64 : index
    %swap3A_529 = tpu.vector_load %arg8[%swap3A_527, %swap3A_528] {strides = array<i32>} : memref<8x128xf32, #tpu.memory_space<vmem>>, vector<1x16xf32>,
    %swap3A_530 = vector.shape_cast %swap3A_529 : vector<1x16xf32> to vector<16xf32>
    %swap3A_531 = vector.shape_cast %broadcast_in_dim3A_165 : vector<16xf32> to vector<1x16xf32>
    tpu.vector_store %arg8[%swap3A_527, %swap3A_528], %swap3A_531 {strides = array<i32>} : memref<8x128xf32, #tpu.memory_space<vmem>>, vector<1x16xf32>,
    %swap3A_532 = arith.constant 7 : i32
    %swap3A_533 = arith.index_cast %swap3A_532 : i32 to index
    %swap3A_534 = arith.constant 80 : index
    %swap3A_535 = tpu.vector_load %arg8[%swap3A_533, %swap3A_534] {strides = array<i32>} : memref<8x128xf32, #tpu.memory_space<vmem>>, vector<1x16xf32>,
    %swap3A_536 = vector.shape_cast %swap3A_535 : vector<1x16xf32> to vector<16xf32>
    %swap3A_537 = vector.shape_cast %broadcast_in_dim3A_165 : vector<16xf32> to vector<1x16xf32>
    tpu.vector_store %arg8[%swap3A_533, %swap3A_534], %swap3A_537 {strides = array<i32>} : memref<8x128xf32, #tpu.memory_space<vmem>>, vector<1x16xf32>,
    %swap3A_538 = arith.constant 7 : i32
    %swap3A_539 = arith.index_cast %swap3A_538 : i32 to index
    %swap3A_540 = arith.constant 96 : index
    %swap3A_541 = tpu.vector_load %arg8[%swap3A_539, %swap3A_540] {strides = array<i32>} : memref<8x128xf32, #tpu.memory_space<vmem>>, vector<1x16xf32>,
    %swap3A_542 = vector.shape_cast %swap3A_541 : vector<1x16xf32> to vector<16xf32>
    %swap3A_543 = vector.shape_cast %broadcast_in_dim3A_165 : vector<16xf32> to vector<1x16xf32>
    tpu.vector_store %arg8[%swap3A_539, %swap3A_540], %swap3A_543 {strides = array<i32>} : memref<8x128xf32, #tpu.memory_space<vmem>>, vector<1x16xf32>,
    %swap3A_544 = arith.constant 7 : i32
    %swap3A_545 = arith.index_cast %swap3A_544 : i32 to index
    %swap3A_546 = arith.constant 112 : index
    %swap3A_547 = tpu.vector_load %arg8[%swap3A_545, %swap3A_546] {strides = array<i32>} : memref<8x128xf32, #tpu.memory_space<vmem>>, vector<1x16xf32>,
    %swap3A_548 = vector.shape_cast %swap3A_547 : vector<1x16xf32> to vector<16xf32>
    %swap3A_549 = vector.shape_cast %broadcast_in_dim3A_165 : vector<16xf32> to vector<1x16xf32>
    tpu.vector_store %arg8[%swap3A_545, %swap3A_546], %swap3A_549 {strides = array<i32>} : memref<8x128xf32, #tpu.memory_space<vmem>>, vector<1x16xf32>,
    %lt3A = arith.constant 8 : i32
    %lt3A_550 = arith.cmpi slt, %arg1, %lt3A : i32
    %convert_element_type3A = arith.extui %lt3A_550 : i1 to i32
    %cond3A = arith.constant 0 : i32
    %cond3A_551 = arith.cmpi ne, %convert_element_type3A, %cond3A : i32
    scf.if %cond3A_551 {
      %mul3A_676 = arith.constant 8 : i32
      %mul3A_677 = arith.muli %arg1, %mul3A_676 : i32
      %multiple_of3A_678 = tpu.assume_multiple %mul3A_677, 8 : i32
      "tpu.region"() ({
        %run_scoped3A = tpu.sem_alloc : memref<!tpu.dma_semaphore, #tpu.memory_space<semaphore_mem>>
        %dma_start3A_679 = arith.constant 0 : i32
        %dma_start3A_680 = tpu.memref_slice %arg9[%multiple_of3A_678, %dma_start3A_679] : memref<64x128xf32, #tpu.memory_space<vmem_shared>> -> memref<8x128xf32, #tpu.memory_space<vmem_shared>>
        %dma_start3A_681 = arith.constant 0 : i32
        %dma_start3A_682 = tpu.memref_slice %arg9[%multiple_of3A_678, %dma_start3A_681] : memref<64x128xf32, #tpu.memory_space<vmem_shared>> -> memref<8x128xf32, #tpu.memory_space<vmem_shared>>
        tpu.enqueue_dma source(%arg8 : memref<8x128xf32, #tpu.memory_space<vmem>>) target(%dma_start3A_682 : memref<8x128xf32, #tpu.memory_space<vmem_shared>>) target_semaphore(%run_scoped3A : memref<!tpu.dma_semaphore, #tpu.memory_space<semaphore_mem>>)
        %dma_wait3A_683 = arith.constant 0 : i32
        %dma_wait3A_684 = tpu.memref_slice %arg9[%multiple_of3A_678, %dma_wait3A_683] : memref<64x128xf32, #tpu.memory_space<vmem_shared>> -> memref<8x128xf32, #tpu.memory_space<vmem_shared>>
        %dma_wait3A_685 = arith.constant 0 : i32
        %dma_wait3A_686 = tpu.memref_slice %arg9[%multiple_of3A_678, %dma_wait3A_685] : memref<64x128xf32, #tpu.memory_space<vmem_shared>> -> memref<8x128xf32, #tpu.memory_space<vmem_shared>>
        tpu.wait_dma2 semaphore(%run_scoped3A : memref<!tpu.dma_semaphore, #tpu.memory_space<semaphore_mem>>) src(%arg8 : memref<8x128xf32, #tpu.memory_space<vmem>>) dst(%dma_wait3A_686 : memref<8x128xf32, #tpu.memory_space<vmem_shared>>)
        tpu.yield
      }) : () -> ()
    } else {
    }
    %barrier3A = arith.constant 0 : index
    tpu.barrier barrier_id(%barrier3A)
    %dma_wait3A = arith.constant 0 : i32
    %dma_wait3A_552 = arith.constant 0 : i32
    %dma_wait3A_553 = arith.constant 0 : i32
    %dma_wait3A_554 = arith.constant 0 : i32
    %dma_wait3A_555 = tpu.memref_slice %arg5[%dma_wait3A, %dma_wait3A_553, %dma_wait3A_554] : memref<3x64x128xf32, #tpu.memory_space<vmem>> -> memref<1x64x128xf32, #tpu.memory_space<vmem>>
    %dma_wait3A_556 = tpu.memref_squeeze %dma_wait3A_555 : memref<1x64x128xf32, #tpu.memory_space<vmem>> -> memref<64x128xf32, #tpu.memory_space<vmem>>
    %dma_wait3A_557 = arith.constant 0 : i32
    %dma_wait3A_558 = tpu.memref_slice %arg2[%multiple_of3A_5, %dma_wait3A_557] : memref<10000x128xf32, #tpu.memory_space<hbm>> -> memref<64x128xf32, #tpu.memory_space<hbm>>
    %dma_wait3A_559 = tpu.memref_slice %arg10[%dma_wait3A_552] : memref<3x!tpu.dma_semaphore, #tpu.memory_space<semaphore_mem>> -> memref<1x!tpu.dma_semaphore, #tpu.memory_space<semaphore_mem>>
    %dma_wait3A_560 = tpu.memref_squeeze %dma_wait3A_559 : memref<1x!tpu.dma_semaphore, #tpu.memory_space<semaphore_mem>> -> memref<!tpu.dma_semaphore, #tpu.memory_space<semaphore_mem>>
    %dma_wait3A_561 = arith.constant 0 : i32
    %dma_wait3A_562 = arith.constant 0 : i32
    %dma_wait3A_563 = tpu.memref_slice %arg5[%dma_wait3A, %dma_wait3A_561, %dma_wait3A_562] : memref<3x64x128xf32, #tpu.memory_space<vmem>> -> memref<1x64x128xf32, #tpu.memory_space<vmem>>
    %dma_wait3A_564 = tpu.memref_squeeze %dma_wait3A_563 : memref<1x64x128xf32, #tpu.memory_space<vmem>> -> memref<64x128xf32, #tpu.memory_space<vmem>>
    %dma_wait3A_565 = arith.constant 0 : i32
    %dma_wait3A_566 = tpu.memref_slice %arg2[%multiple_of3A_5, %dma_wait3A_565] : memref<10000x128xf32, #tpu.memory_space<hbm>> -> memref<64x128xf32, #tpu.memory_space<hbm>>
    tpu.wait_dma2 semaphore(%dma_wait3A_560 : memref<!tpu.dma_semaphore, #tpu.memory_space<semaphore_mem>>) src(%dma_wait3A_566 : memref<64x128xf32, #tpu.memory_space<hbm>>) dst(%dma_wait3A_564 : memref<64x128xf32, #tpu.memory_space<vmem>>)
    %dma_start3A_567 = arith.constant 0 : i32
    %dma_start3A_568 = arith.constant 0 : i32
    %dma_start3A_569 = arith.constant 0 : i32
    %dma_start3A_570 = arith.constant 0 : i32
    %dma_start3A_571 = tpu.memref_slice %arg5[%dma_start3A_567, %dma_start3A_569, %dma_start3A_570] : memref<3x64x128xf32, #tpu.memory_space<vmem>> -> memref<1x64x128xf32, #tpu.memory_space<vmem>>
    %dma_start3A_572 = tpu.memref_squeeze %dma_start3A_571 : memref<1x64x128xf32, #tpu.memory_space<vmem>> -> memref<64x128xf32, #tpu.memory_space<vmem>>
    %dma_start3A_573 = arith.constant 0 : i32
    %dma_start3A_574 = tpu.memref_slice %arg7[%dma_start3A_568, %dma_start3A_573] : memref<3x64xi32, #tpu.memory_space<vmem>> -> memref<1x64xi32, #tpu.memory_space<vmem>>
    %dma_start3A_575 = tpu.memref_squeeze %dma_start3A_574 : memref<1x64xi32, #tpu.memory_space<vmem>> -> memref<64xi32, #tpu.memory_space<vmem>>
    %dma_start3A_576 = arith.constant 0 : i32
    %dma_start3A_577 = arith.constant 0 : i32
    %dma_start3A_578 = tpu.memref_slice %arg9[%dma_start3A_576, %dma_start3A_577] : memref<64x128xf32, #tpu.memory_space<vmem_shared>> -> memref<64x128xf32, #tpu.memory_space<vmem_shared>>
    tpu.enqueue_indirect_dma source(%dma_start3A_572 : memref<64x128xf32, #tpu.memory_space<vmem>>) target(%dma_start3A_578 : memref<64x128xf32, #tpu.memory_space<vmem_shared>>) offsets(%dma_start3A_575 : memref<64xi32, #tpu.memory_space<vmem>>) semaphore(%arg11 : memref<!tpu.dma_semaphore, #tpu.memory_space<semaphore_mem>>) {add = true}
    %dma_wait3A_579 = arith.constant 1 : i32
    %dma_wait3A_580 = arith.constant 1 : i32
    %dma_wait3A_581 = arith.constant 0 : i32
    %dma_wait3A_582 = arith.constant 0 : i32
    %dma_wait3A_583 = tpu.memref_slice %arg5[%dma_wait3A_579, %dma_wait3A_581, %dma_wait3A_582] : memref<3x64x128xf32, #tpu.memory_space<vmem>> -> memref<1x64x128xf32, #tpu.memory_space<vmem>>
    %dma_wait3A_584 = tpu.memref_squeeze %dma_wait3A_583 : memref<1x64x128xf32, #tpu.memory_space<vmem>> -> memref<64x128xf32, #tpu.memory_space<vmem>>
    %dma_wait3A_585 = arith.constant 0 : i32
    %dma_wait3A_586 = tpu.memref_slice %arg2[%multiple_of3A_23, %dma_wait3A_585] : memref<10000x128xf32, #tpu.memory_space<hbm>> -> memref<64x128xf32, #tpu.memory_space<hbm>>
    %dma_wait3A_587 = tpu.memref_slice %arg10[%dma_wait3A_580] : memref<3x!tpu.dma_semaphore, #tpu.memory_space<semaphore_mem>> -> memref<1x!tpu.dma_semaphore, #tpu.memory_space<semaphore_mem>>
    %dma_wait3A_588 = tpu.memref_squeeze %dma_wait3A_587 : memref<1x!tpu.dma_semaphore, #tpu.memory_space<semaphore_mem>> -> memref<!tpu.dma_semaphore, #tpu.memory_space<semaphore_mem>>
    %dma_wait3A_589 = arith.constant 0 : i32
    %dma_wait3A_590 = arith.constant 0 : i32
    %dma_wait3A_591 = tpu.memref_slice %arg5[%dma_wait3A_579, %dma_wait3A_589, %dma_wait3A_590] : memref<3x64x128xf32, #tpu.memory_space<vmem>> -> memref<1x64x128xf32, #tpu.memory_space<vmem>>
    %dma_wait3A_592 = tpu.memref_squeeze %dma_wait3A_591 : memref<1x64x128xf32, #tpu.memory_space<vmem>> -> memref<64x128xf32, #tpu.memory_space<vmem>>
    %dma_wait3A_593 = arith.constant 0 : i32
    %dma_wait3A_594 = tpu.memref_slice %arg2[%multiple_of3A_23, %dma_wait3A_593] : memref<10000x128xf32, #tpu.memory_space<hbm>> -> memref<64x128xf32, #tpu.memory_space<hbm>>
    tpu.wait_dma2 semaphore(%dma_wait3A_588 : memref<!tpu.dma_semaphore, #tpu.memory_space<semaphore_mem>>) src(%dma_wait3A_594 : memref<64x128xf32, #tpu.memory_space<hbm>>) dst(%dma_wait3A_592 : memref<64x128xf32, #tpu.memory_space<vmem>>)
    %dma_start3A_595 = arith.constant 1 : i32
    %dma_start3A_596 = arith.constant 1 : i32
    %dma_start3A_597 = arith.constant 0 : i32
    %dma_start3A_598 = arith.constant 0 : i32
    %dma_start3A_599 = tpu.memref_slice %arg5[%dma_start3A_595, %dma_start3A_597, %dma_start3A_598] : memref<3x64x128xf32, #tpu.memory_space<vmem>> -> memref<1x64x128xf32, #tpu.memory_space<vmem>>
    %dma_start3A_600 = tpu.memref_squeeze %dma_start3A_599 : memref<1x64x128xf32, #tpu.memory_space<vmem>> -> memref<64x128xf32, #tpu.memory_space<vmem>>
    %dma_start3A_601 = arith.constant 0 : i32
    %dma_start3A_602 = tpu.memref_slice %arg7[%dma_start3A_596, %dma_start3A_601] : memref<3x64xi32, #tpu.memory_space<vmem>> -> memref<1x64xi32, #tpu.memory_space<vmem>>
    %dma_start3A_603 = tpu.memref_squeeze %dma_start3A_602 : memref<1x64xi32, #tpu.memory_space<vmem>> -> memref<64xi32, #tpu.memory_space<vmem>>
    %dma_start3A_604 = arith.constant 0 : i32
    %dma_start3A_605 = arith.constant 0 : i32
    %dma_start3A_606 = tpu.memref_slice %arg9[%dma_start3A_604, %dma_start3A_605] : memref<64x128xf32, #tpu.memory_space<vmem_shared>> -> memref<64x128xf32, #tpu.memory_space<vmem_shared>>
    tpu.enqueue_indirect_dma source(%dma_start3A_600 : memref<64x128xf32, #tpu.memory_space<vmem>>) target(%dma_start3A_606 : memref<64x128xf32, #tpu.memory_space<vmem_shared>>) offsets(%dma_start3A_603 : memref<64xi32, #tpu.memory_space<vmem>>) semaphore(%arg11 : memref<!tpu.dma_semaphore, #tpu.memory_space<semaphore_mem>>) {add = true}
    %dma_wait3A_607 = arith.constant 2 : i32
    %dma_wait3A_608 = arith.constant 2 : i32
    %dma_wait3A_609 = arith.constant 0 : i32
    %dma_wait3A_610 = arith.constant 0 : i32
    %dma_wait3A_611 = tpu.memref_slice %arg5[%dma_wait3A_607, %dma_wait3A_609, %dma_wait3A_610] : memref<3x64x128xf32, #tpu.memory_space<vmem>> -> memref<1x64x128xf32, #tpu.memory_space<vmem>>
    %dma_wait3A_612 = tpu.memref_squeeze %dma_wait3A_611 : memref<1x64x128xf32, #tpu.memory_space<vmem>> -> memref<64x128xf32, #tpu.memory_space<vmem>>
    %dma_wait3A_613 = arith.constant 0 : i32
    %dma_wait3A_614 = tpu.memref_slice %arg2[%multiple_of3A_42, %dma_wait3A_613] : memref<10000x128xf32, #tpu.memory_space<hbm>> -> memref<64x128xf32, #tpu.memory_space<hbm>>
    %dma_wait3A_615 = tpu.memref_slice %arg10[%dma_wait3A_608] : memref<3x!tpu.dma_semaphore, #tpu.memory_space<semaphore_mem>> -> memref<1x!tpu.dma_semaphore, #tpu.memory_space<semaphore_mem>>
    %dma_wait3A_616 = tpu.memref_squeeze %dma_wait3A_615 : memref<1x!tpu.dma_semaphore, #tpu.memory_space<semaphore_mem>> -> memref<!tpu.dma_semaphore, #tpu.memory_space<semaphore_mem>>
    %dma_wait3A_617 = arith.constant 0 : i32
    %dma_wait3A_618 = arith.constant 0 : i32
    %dma_wait3A_619 = tpu.memref_slice %arg5[%dma_wait3A_607, %dma_wait3A_617, %dma_wait3A_618] : memref<3x64x128xf32, #tpu.memory_space<vmem>> -> memref<1x64x128xf32, #tpu.memory_space<vmem>>
    %dma_wait3A_620 = tpu.memref_squeeze %dma_wait3A_619 : memref<1x64x128xf32, #tpu.memory_space<vmem>> -> memref<64x128xf32, #tpu.memory_space<vmem>>
    %dma_wait3A_621 = arith.constant 0 : i32
    %dma_wait3A_622 = tpu.memref_slice %arg2[%multiple_of3A_42, %dma_wait3A_621] : memref<10000x128xf32, #tpu.memory_space<hbm>> -> memref<64x128xf32, #tpu.memory_space<hbm>>
    tpu.wait_dma2 semaphore(%dma_wait3A_616 : memref<!tpu.dma_semaphore, #tpu.memory_space<semaphore_mem>>) src(%dma_wait3A_622 : memref<64x128xf32, #tpu.memory_space<hbm>>) dst(%dma_wait3A_620 : memref<64x128xf32, #tpu.memory_space<vmem>>)
    %dma_start3A_623 = arith.constant 2 : i32
    %dma_start3A_624 = arith.constant 2 : i32
    %dma_start3A_625 = arith.constant 0 : i32
    %dma_start3A_626 = arith.constant 0 : i32
    %dma_start3A_627 = tpu.memref_slice %arg5[%dma_start3A_623, %dma_start3A_625, %dma_start3A_626] : memref<3x64x128xf32, #tpu.memory_space<vmem>> -> memref<1x64x128xf32, #tpu.memory_space<vmem>>
    %dma_start3A_628 = tpu.memref_squeeze %dma_start3A_627 : memref<1x64x128xf32, #tpu.memory_space<vmem>> -> memref<64x128xf32, #tpu.memory_space<vmem>>
    %dma_start3A_629 = arith.constant 0 : i32
    %dma_start3A_630 = tpu.memref_slice %arg7[%dma_start3A_624, %dma_start3A_629] : memref<3x64xi32, #tpu.memory_space<vmem>> -> memref<1x64xi32, #tpu.memory_space<vmem>>
    %dma_start3A_631 = tpu.memref_squeeze %dma_start3A_630 : memref<1x64xi32, #tpu.memory_space<vmem>> -> memref<64xi32, #tpu.memory_space<vmem>>
    %dma_start3A_632 = arith.constant 0 : i32
    %dma_start3A_633 = arith.constant 0 : i32
    %dma_start3A_634 = tpu.memref_slice %arg9[%dma_start3A_632, %dma_start3A_633] : memref<64x128xf32, #tpu.memory_space<vmem_shared>> -> memref<64x128xf32, #tpu.memory_space<vmem_shared>>
    tpu.enqueue_indirect_dma source(%dma_start3A_628 : memref<64x128xf32, #tpu.memory_space<vmem>>) target(%dma_start3A_634 : memref<64x128xf32, #tpu.memory_space<vmem_shared>>) offsets(%dma_start3A_631 : memref<64xi32, #tpu.memory_space<vmem>>) semaphore(%arg11 : memref<!tpu.dma_semaphore, #tpu.memory_space<semaphore_mem>>) {add = true}
    %dma_wait3A_635 = arith.constant 0 : i32
    %dma_wait3A_636 = arith.constant 0 : i32
    %dma_wait3A_637 = arith.constant 0 : i32
    %dma_wait3A_638 = arith.constant 0 : i32
    %dma_wait3A_639 = tpu.memref_slice %arg5[%dma_wait3A_635, %dma_wait3A_637, %dma_wait3A_638] : memref<3x64x128xf32, #tpu.memory_space<vmem>> -> memref<1x64x128xf32, #tpu.memory_space<vmem>>
    %dma_wait3A_640 = tpu.memref_squeeze %dma_wait3A_639 : memref<1x64x128xf32, #tpu.memory_space<vmem>> -> memref<64x128xf32, #tpu.memory_space<vmem>>
    %dma_wait3A_641 = arith.constant 0 : i32
    %dma_wait3A_642 = tpu.memref_slice %arg7[%dma_wait3A_636, %dma_wait3A_641] : memref<3x64xi32, #tpu.memory_space<vmem>> -> memref<1x64xi32, #tpu.memory_space<vmem>>
    %dma_wait3A_643 = tpu.memref_squeeze %dma_wait3A_642 : memref<1x64xi32, #tpu.memory_space<vmem>> -> memref<64xi32, #tpu.memory_space<vmem>>
    %dma_wait3A_644 = arith.constant 0 : i32
    %dma_wait3A_645 = arith.constant 0 : i32
    %dma_wait3A_646 = tpu.memref_slice %arg9[%dma_wait3A_644, %dma_wait3A_645] : memref<64x128xf32, #tpu.memory_space<vmem_shared>> -> memref<64x128xf32, #tpu.memory_space<vmem_shared>>
    tpu.wait_indirect_dma semaphore(%arg11 : memref<!tpu.dma_semaphore, #tpu.memory_space<semaphore_mem>>) src(%dma_wait3A_640 : memref<64x128xf32, #tpu.memory_space<vmem>>) dst(%dma_wait3A_646 : memref<64x128xf32, #tpu.memory_space<vmem_shared>>)
    %dma_wait3A_647 = arith.constant 1 : i32
    %dma_wait3A_648 = arith.constant 1 : i32
    %dma_wait3A_649 = arith.constant 0 : i32
    %dma_wait3A_650 = arith.constant 0 : i32
    %dma_wait3A_651 = tpu.memref_slice %arg5[%dma_wait3A_647, %dma_wait3A_649, %dma_wait3A_650] : memref<3x64x128xf32, #tpu.memory_space<vmem>> -> memref<1x64x128xf32, #tpu.memory_space<vmem>>
    %dma_wait3A_652 = tpu.memref_squeeze %dma_wait3A_651 : memref<1x64x128xf32, #tpu.memory_space<vmem>> -> memref<64x128xf32, #tpu.memory_space<vmem>>
    %dma_wait3A_653 = arith.constant 0 : i32
    %dma_wait3A_654 = tpu.memref_slice %arg7[%dma_wait3A_648, %dma_wait3A_653] : memref<3x64xi32, #tpu.memory_space<vmem>> -> memref<1x64xi32, #tpu.memory_space<vmem>>
    %dma_wait3A_655 = tpu.memref_squeeze %dma_wait3A_654 : memref<1x64xi32, #tpu.memory_space<vmem>> -> memref<64xi32, #tpu.memory_space<vmem>>
    %dma_wait3A_656 = arith.constant 0 : i32
    %dma_wait3A_657 = arith.constant 0 : i32
    %dma_wait3A_658 = tpu.memref_slice %arg9[%dma_wait3A_656, %dma_wait3A_657] : memref<64x128xf32, #tpu.memory_space<vmem_shared>> -> memref<64x128xf32, #tpu.memory_space<vmem_shared>>
    tpu.wait_indirect_dma semaphore(%arg11 : memref<!tpu.dma_semaphore, #tpu.memory_space<semaphore_mem>>) src(%dma_wait3A_652 : memref<64x128xf32, #tpu.memory_space<vmem>>) dst(%dma_wait3A_658 : memref<64x128xf32, #tpu.memory_space<vmem_shared>>)
    %dma_wait3A_659 = arith.constant 2 : i32
    %dma_wait3A_660 = arith.constant 2 : i32
    %dma_wait3A_661 = arith.constant 0 : i32
    %dma_wait3A_662 = arith.constant 0 : i32
    %dma_wait3A_663 = tpu.memref_slice %arg5[%dma_wait3A_659, %dma_wait3A_661, %dma_wait3A_662] : memref<3x64x128xf32, #tpu.memory_space<vmem>> -> memref<1x64x128xf32, #tpu.memory_space<vmem>>
    %dma_wait3A_664 = tpu.memref_squeeze %dma_wait3A_663 : memref<1x64x128xf32, #tpu.memory_space<vmem>> -> memref<64x128xf32, #tpu.memory_space<vmem>>
    %dma_wait3A_665 = arith.constant 0 : i32
    %dma_wait3A_666 = tpu.memref_slice %arg7[%dma_wait3A_660, %dma_wait3A_665] : memref<3x64xi32, #tpu.memory_space<vmem>> -> memref<1x64xi32, #tpu.memory_space<vmem>>
    %dma_wait3A_667 = tpu.memref_squeeze %dma_wait3A_666 : memref<1x64xi32, #tpu.memory_space<vmem>> -> memref<64xi32, #tpu.memory_space<vmem>>
    %dma_wait3A_668 = arith.constant 0 : i32
    %dma_wait3A_669 = arith.constant 0 : i32
    %dma_wait3A_670 = tpu.memref_slice %arg9[%dma_wait3A_668, %dma_wait3A_669] : memref<64x128xf32, #tpu.memory_space<vmem_shared>> -> memref<64x128xf32, #tpu.memory_space<vmem_shared>>
    tpu.wait_indirect_dma semaphore(%arg11 : memref<!tpu.dma_semaphore, #tpu.memory_space<semaphore_mem>>) src(%dma_wait3A_664 : memref<64x128xf32, #tpu.memory_space<vmem>>) dst(%dma_wait3A_670 : memref<64x128xf32, #tpu.memory_space<vmem_shared>>)
    %barrier3A_671 = arith.constant 0 : index
    tpu.barrier barrier_id(%barrier3A_671)
    %eq3A = arith.constant 0 : i32
    %eq3A_672 = arith.cmpi eq, %arg1, %eq3A : i32
    %convert_element_type3A_673 = arith.extui %eq3A_672 : i1 to i32
    %cond3A_674 = arith.constant 0 : i32
    %cond3A_675 = arith.cmpi ne, %convert_element_type3A_673, %cond3A_674 : i32
    scf.if %cond3A_675 {
      "tpu.region"() ({
        %run_scoped3A = tpu.sem_alloc : memref<!tpu.dma_semaphore, #tpu.memory_space<semaphore_mem>>
        %dma_start3A_676 = arith.constant 0 : i32
        %dma_start3A_677 = arith.constant 0 : i32
        %dma_start3A_678 = tpu.memref_slice %arg4[%arg0, %dma_start3A_676, %dma_start3A_677] : memref<2x64x128xf32, #tpu.memory_space<hbm>> -> memref<1x64x128xf32, #tpu.memory_space<hbm>>
        %dma_start3A_679 = tpu.memref_squeeze %dma_start3A_678 : memref<1x64x128xf32, #tpu.memory_space<hbm>> -> memref<64x128xf32, #tpu.memory_space<hbm>>
        tpu.enqueue_dma source(%arg9 : memref<64x128xf32, #tpu.memory_space<vmem_shared>>) target(%dma_start3A_679 : memref<64x128xf32, #tpu.memory_space<hbm>>) target_semaphore(%run_scoped3A : memref<!tpu.dma_semaphore, #tpu.memory_space<semaphore_mem>>)
        %dma_wait3A_680 = arith.constant 0 : i32
        %dma_wait3A_681 = arith.constant 0 : i32
        %dma_wait3A_682 = tpu.memref_slice %arg4[%arg0, %dma_wait3A_680, %dma_wait3A_681] : memref<2x64x128xf32, #tpu.memory_space<hbm>> -> memref<1x64x128xf32, #tpu.memory_space<hbm>>
        %dma_wait3A_683 = tpu.memref_squeeze %dma_wait3A_682 : memref<1x64x128xf32, #tpu.memory_space<hbm>> -> memref<64x128xf32, #tpu.memory_space<hbm>>
        tpu.wait_dma2 semaphore(%run_scoped3A : memref<!tpu.dma_semaphore, #tpu.memory_space<semaphore_mem>>) src(%arg9 : memref<64x128xf32, #tpu.memory_space<vmem_shared>>) dst(%dma_wait3A_683 : memref<64x128xf32, #tpu.memory_space<hbm>>)
        tpu.yield
      }) : () -> ()
    } else {
    }
    return
  }
}

module attributes {stable_mosaic.version = 14 : i64} {
  func.func @body(%arg0: memref<2x64x128xf32, #tpu.memory_space<vmem>>, %arg1: memref<64x128xf32, #tpu.memory_space<vmem>>, %arg2: memref<80x128xi32, #tpu.memory_space<vmem>>, %arg3: memref<128x128xf32, #tpu.memory_space<vmem>>, %arg4: memref<1x128xf32, #tpu.memory_space<vmem>>, %arg5: memref<128x128xf32, #tpu.memory_space<vmem>>, %arg6: memref<1x128xf32, #tpu.memory_space<vmem>>, %arg7: memref<64x128xf32, #tpu.memory_space<vmem>>) attributes {dimension_semantics = [], scalar_prefetch = 0 : i64, scratch_operands = 0 : i64, tpu.core_type = #tpu.core_type<tc>} {
    %get3A = arith.constant 0 : index
    %get3A_0 = arith.constant 0 : index
    %get3A_1 = arith.constant 0 : index
    %get3A_2 = vector.load %arg0[%get3A, %get3A_0, %get3A_1] : memref<2x64x128xf32, #tpu.memory_space<vmem>>, vector<1x64x128xf32>
    %get3A_3 = vector.shape_cast %get3A_2 : vector<1x64x128xf32> to vector<64x128xf32>
    %get3A_4 = arith.constant 1 : index
    %get3A_5 = arith.constant 0 : index
    %get3A_6 = arith.constant 0 : index
    %get3A_7 = vector.load %arg0[%get3A_4, %get3A_5, %get3A_6] : memref<2x64x128xf32, #tpu.memory_space<vmem>>, vector<1x64x128xf32>
    %get3A_8 = vector.shape_cast %get3A_7 : vector<1x64x128xf32> to vector<64x128xf32>
    %add3A = arith.addf %get3A_3, %get3A_8 : vector<64x128xf32>
    %get3A_9 = arith.constant 0 : index
    %get3A_10 = arith.constant 0 : index
    %get3A_11 = vector.load %arg1[%get3A_9, %get3A_10] : memref<64x128xf32, #tpu.memory_space<vmem>>, vector<64x128xf32>
    %add3A_12 = arith.addf %add3A, %get3A_11 : vector<64x128xf32>
    %get3A_13 = arith.constant 0 : index
    %get3A_14 = arith.constant 0 : index
    %get3A_15 = vector.load %arg2[%get3A_13, %get3A_14] : memref<80x128xi32, #tpu.memory_space<vmem>>, vector<80x128xi32>
    %iota3A = tpu.iota {dimensions = array<i32: 0>} : vector<64x1x1xi32>
    %broadcast_in_dim3A = vector.shape_cast %get3A_15 : vector<80x128xi32> to vector<1x80x128xi32>
    %eq3A = vector.broadcast %broadcast_in_dim3A : vector<1x80x128xi32> to vector<64x80x128xi32>
    %eq3A_16 = vector.broadcast %iota3A : vector<64x1x1xi32> to vector<64x80x128xi32>
    %eq3A_17 = arith.cmpi eq, %eq3A, %eq3A_16 : vector<64x80x128xi32>
    %convert_element_type3A = arith.extui %eq3A_17 : vector<64x80x128xi1> to vector<64x80x128xi32>
    %convert_element_type3A_18 = arith.sitofp %convert_element_type3A : vector<64x80x128xi32> to vector<64x80x128xf32>
    %reduce_sum3A = arith.constant dense<0.000000e+00> : vector<64xf32>
    %reduce_sum3A_19 = vector.multi_reduction <add>, %convert_element_type3A_18, %reduce_sum3A [1, 2] : vector<64x80x128xf32> to vector<64xf32>
    %max3A = arith.constant 1.000000e+00 : f32
    %max3A_20 = vector.broadcast %max3A : f32 to vector<64xf32>
    %max3A_21 = arith.maximumf %reduce_sum3A_19, %max3A_20 : vector<64xf32>
    %broadcast_in_dim3A_22 = vector.shape_cast %max3A_21 : vector<64xf32> to vector<64x1xf32>
    %div3A = vector.broadcast %broadcast_in_dim3A_22 : vector<64x1xf32> to vector<64x128xf32>
    %div3A_23 = arith.divf %add3A_12, %div3A : vector<64x128xf32>
    %get3A_24 = arith.constant 0 : index
    %get3A_25 = arith.constant 0 : index
    %get3A_26 = vector.load %arg3[%get3A_24, %get3A_25] : memref<128x128xf32, #tpu.memory_space<vmem>>, vector<128x128xf32>
    %dot_general3A = arith.constant dense<0.000000e+00> : vector<64x128xf32>
    %dot_general3A_27 = tpu.matmul %div3A_23, %get3A_26, %dot_general3A {dimension_numbers = #tpu.dot_dimension_numbers<[1], [0], [0], [1], [0, 0, 1, 1], [], []>, transpose_lhs_hint = false} : vector<64x128xf32>, vector<128x128xf32>, vector<64x128xf32> -> vector<64x128xf32>
    %get3A_28 = arith.constant 0 : index
    %get3A_29 = arith.constant 0 : index
    %get3A_30 = vector.load %arg4[%get3A_28, %get3A_29] : memref<1x128xf32, #tpu.memory_space<vmem>>, vector<1x128xf32>
    %add3A_31 = vector.broadcast %get3A_30 : vector<1x128xf32> to vector<64x128xf32>
    %add3A_32 = arith.addf %dot_general3A_27, %add3A_31 : vector<64x128xf32>
    %max3A_33 = arith.constant 0.000000e+00 : f32
    %max3A_34 = vector.broadcast %max3A_33 : f32 to vector<64x128xf32>
    %max3A_35 = arith.maximumf %add3A_32, %max3A_34 : vector<64x128xf32>
    %get3A_36 = arith.constant 0 : index
    %get3A_37 = arith.constant 0 : index
    %get3A_38 = vector.load %arg5[%get3A_36, %get3A_37] : memref<128x128xf32, #tpu.memory_space<vmem>>, vector<128x128xf32>
    %dot_general3A_39 = arith.constant dense<0.000000e+00> : vector<64x128xf32>
    %dot_general3A_40 = tpu.matmul %max3A_35, %get3A_38, %dot_general3A_39 {dimension_numbers = #tpu.dot_dimension_numbers<[1], [0], [0], [1], [0, 0, 1, 1], [], []>, transpose_lhs_hint = false} : vector<64x128xf32>, vector<128x128xf32>, vector<64x128xf32> -> vector<64x128xf32>
    %get3A_41 = arith.constant 0 : index
    %get3A_42 = arith.constant 0 : index
    %get3A_43 = vector.load %arg6[%get3A_41, %get3A_42] : memref<1x128xf32, #tpu.memory_space<vmem>>, vector<1x128xf32>
    %add3A_44 = vector.broadcast %get3A_43 : vector<1x128xf32> to vector<64x128xf32>
    %add3A_45 = arith.addf %dot_general3A_40, %add3A_44 : vector<64x128xf32>
    %max3A_46 = arith.constant 0.000000e+00 : f32
    %max3A_47 = vector.broadcast %max3A_46 : f32 to vector<64x128xf32>
    %max3A_48 = arith.maximumf %add3A_45, %max3A_47 : vector<64x128xf32>
    %swap3A = arith.constant 0 : index
    %swap3A_49 = arith.constant 0 : index
    %swap3A_50 = vector.load %arg7[%swap3A, %swap3A_49] : memref<64x128xf32, #tpu.memory_space<vmem>>, vector<64x128xf32>
    tpu.vector_store %arg7[%swap3A, %swap3A_49], %max3A_48 {strides = array<i32>} : memref<64x128xf32, #tpu.memory_space<vmem>>, vector<64x128xf32>,
    return
  }
}

module attributes {stable_mosaic.version = 14 : i64} {
  func.func @body(%arg0: i32, %arg1: memref<1024x128xf32, #tpu.memory_space<vmem>>, %arg2: memref<8x128xi32, #tpu.memory_space<vmem>>, %arg3: memref<64x128xf32, #tpu.memory_space<vmem>>) attributes {dimension_semantics = [#tpu.dimension_semantics<arbitrary>], iteration_bounds = array<i64: 4>, scalar_prefetch = 0 : i64, scratch_operands = 0 : i64, tpu.core_type = #tpu.core_type<tc>, window_params = [{transform_indices = @transform_0, window_bounds = array<i64: 1024, 128>}, {transform_indices = @transform_1, window_bounds = array<i64: 8, 128>}, {pipeline_mode = #tpu.pipeline_mode<synchronous>, transform_indices = @transform_2, window_bounds = array<i64: 64, 128>}]} {
    %eq3A = arith.constant 0 : i32
    %eq3A_0 = arith.cmpi eq, %arg0, %eq3A : i32
    %convert_element_type3A = arith.extui %eq3A_0 : i1 to i32
    %cond3A = arith.constant 0 : i32
    %cond3A_1 = arith.cmpi ne, %convert_element_type3A, %cond3A : i32
    scf.if %cond3A_1 {
      %broadcast_in_dim3A_84 = arith.constant 0.000000e+00 : f32
      %broadcast_in_dim3A_85 = vector.broadcast %broadcast_in_dim3A_84 : f32 to vector<64x128xf32>
      %swap3A_86 = arith.constant 0 : index
      %swap3A_87 = arith.constant 0 : index
      %swap3A_88 = vector.load %arg3[%swap3A_86, %swap3A_87] : memref<64x128xf32, #tpu.memory_space<vmem>>, vector<64x128xf32>
      tpu.vector_store %arg3[%swap3A_86, %swap3A_87], %broadcast_in_dim3A_85 {strides = array<i32>} : memref<64x128xf32, #tpu.memory_space<vmem>>, vector<64x128xf32>,
    } else {
    }
    %iota3A = tpu.iota {dimensions = array<i32: 0>} : vector<64x1xi32>
    %get3A = arith.constant 0 : index
    %get3A_2 = arith.constant 0 : index
    %get3A_3 = vector.load %arg2[%get3A, %get3A_2] : memref<8x128xi32, #tpu.memory_space<vmem>>, vector<1x128xi32>
    %eq3A_4 = vector.broadcast %get3A_3 : vector<1x128xi32> to vector<64x128xi32>
    %eq3A_5 = vector.broadcast %iota3A : vector<64x1xi32> to vector<64x128xi32>
    %eq3A_6 = arith.cmpi eq, %eq3A_4, %eq3A_5 : vector<64x128xi32>
    %convert_element_type3A_7 = arith.extui %eq3A_6 : vector<64x128xi1> to vector<64x128xi32>
    %convert_element_type3A_8 = arith.sitofp %convert_element_type3A_7 : vector<64x128xi32> to vector<64x128xf32>
    %get3A_9 = arith.constant 1 : index
    %get3A_10 = arith.constant 0 : index
    %get3A_11 = vector.load %arg2[%get3A_9, %get3A_10] : memref<8x128xi32, #tpu.memory_space<vmem>>, vector<1x128xi32>
    %eq3A_12 = vector.broadcast %get3A_11 : vector<1x128xi32> to vector<64x128xi32>
    %eq3A_13 = vector.broadcast %iota3A : vector<64x1xi32> to vector<64x128xi32>
    %eq3A_14 = arith.cmpi eq, %eq3A_12, %eq3A_13 : vector<64x128xi32>
    %convert_element_type3A_15 = arith.extui %eq3A_14 : vector<64x128xi1> to vector<64x128xi32>
    %convert_element_type3A_16 = arith.sitofp %convert_element_type3A_15 : vector<64x128xi32> to vector<64x128xf32>
    %get3A_17 = arith.constant 2 : index
    %get3A_18 = arith.constant 0 : index
    %get3A_19 = vector.load %arg2[%get3A_17, %get3A_18] : memref<8x128xi32, #tpu.memory_space<vmem>>, vector<1x128xi32>
    %eq3A_20 = vector.broadcast %get3A_19 : vector<1x128xi32> to vector<64x128xi32>
    %eq3A_21 = vector.broadcast %iota3A : vector<64x1xi32> to vector<64x128xi32>
    %eq3A_22 = arith.cmpi eq, %eq3A_20, %eq3A_21 : vector<64x128xi32>
    %convert_element_type3A_23 = arith.extui %eq3A_22 : vector<64x128xi1> to vector<64x128xi32>
    %convert_element_type3A_24 = arith.sitofp %convert_element_type3A_23 : vector<64x128xi32> to vector<64x128xf32>
    %get3A_25 = arith.constant 3 : index
    %get3A_26 = arith.constant 0 : index
    %get3A_27 = vector.load %arg2[%get3A_25, %get3A_26] : memref<8x128xi32, #tpu.memory_space<vmem>>, vector<1x128xi32>
    %eq3A_28 = vector.broadcast %get3A_27 : vector<1x128xi32> to vector<64x128xi32>
    %eq3A_29 = vector.broadcast %iota3A : vector<64x1xi32> to vector<64x128xi32>
    %eq3A_30 = arith.cmpi eq, %eq3A_28, %eq3A_29 : vector<64x128xi32>
    %convert_element_type3A_31 = arith.extui %eq3A_30 : vector<64x128xi1> to vector<64x128xi32>
    %convert_element_type3A_32 = arith.sitofp %convert_element_type3A_31 : vector<64x128xi32> to vector<64x128xf32>
    %get3A_33 = arith.constant 4 : index
    %get3A_34 = arith.constant 0 : index
    %get3A_35 = vector.load %arg2[%get3A_33, %get3A_34] : memref<8x128xi32, #tpu.memory_space<vmem>>, vector<1x128xi32>
    %eq3A_36 = vector.broadcast %get3A_35 : vector<1x128xi32> to vector<64x128xi32>
    %eq3A_37 = vector.broadcast %iota3A : vector<64x1xi32> to vector<64x128xi32>
    %eq3A_38 = arith.cmpi eq, %eq3A_36, %eq3A_37 : vector<64x128xi32>
    %convert_element_type3A_39 = arith.extui %eq3A_38 : vector<64x128xi1> to vector<64x128xi32>
    %convert_element_type3A_40 = arith.sitofp %convert_element_type3A_39 : vector<64x128xi32> to vector<64x128xf32>
    %get3A_41 = arith.constant 5 : index
    %get3A_42 = arith.constant 0 : index
    %get3A_43 = vector.load %arg2[%get3A_41, %get3A_42] : memref<8x128xi32, #tpu.memory_space<vmem>>, vector<1x128xi32>
    %eq3A_44 = vector.broadcast %get3A_43 : vector<1x128xi32> to vector<64x128xi32>
    %eq3A_45 = vector.broadcast %iota3A : vector<64x1xi32> to vector<64x128xi32>
    %eq3A_46 = arith.cmpi eq, %eq3A_44, %eq3A_45 : vector<64x128xi32>
    %convert_element_type3A_47 = arith.extui %eq3A_46 : vector<64x128xi1> to vector<64x128xi32>
    %convert_element_type3A_48 = arith.sitofp %convert_element_type3A_47 : vector<64x128xi32> to vector<64x128xf32>
    %get3A_49 = arith.constant 6 : index
    %get3A_50 = arith.constant 0 : index
    %get3A_51 = vector.load %arg2[%get3A_49, %get3A_50] : memref<8x128xi32, #tpu.memory_space<vmem>>, vector<1x128xi32>
    %eq3A_52 = vector.broadcast %get3A_51 : vector<1x128xi32> to vector<64x128xi32>
    %eq3A_53 = vector.broadcast %iota3A : vector<64x1xi32> to vector<64x128xi32>
    %eq3A_54 = arith.cmpi eq, %eq3A_52, %eq3A_53 : vector<64x128xi32>
    %convert_element_type3A_55 = arith.extui %eq3A_54 : vector<64x128xi1> to vector<64x128xi32>
    %convert_element_type3A_56 = arith.sitofp %convert_element_type3A_55 : vector<64x128xi32> to vector<64x128xf32>
    %get3A_57 = arith.constant 7 : index
    %get3A_58 = arith.constant 0 : index
    %get3A_59 = vector.load %arg2[%get3A_57, %get3A_58] : memref<8x128xi32, #tpu.memory_space<vmem>>, vector<1x128xi32>
    %eq3A_60 = vector.broadcast %get3A_59 : vector<1x128xi32> to vector<64x128xi32>
    %eq3A_61 = vector.broadcast %iota3A : vector<64x1xi32> to vector<64x128xi32>
    %eq3A_62 = arith.cmpi eq, %eq3A_60, %eq3A_61 : vector<64x128xi32>
    %convert_element_type3A_63 = arith.extui %eq3A_62 : vector<64x128xi1> to vector<64x128xi32>
    %convert_element_type3A_64 = arith.sitofp %convert_element_type3A_63 : vector<64x128xi32> to vector<64x128xf32>
    %concatenate3A = tpu.concatenate %convert_element_type3A_8, %convert_element_type3A_16, %convert_element_type3A_24, %convert_element_type3A_32, %convert_element_type3A_40, %convert_element_type3A_48, %convert_element_type3A_56, %convert_element_type3A_64 in 1 : vector<64x128xf32>, vector<64x128xf32>, vector<64x128xf32>, vector<64x128xf32>, vector<64x128xf32>, vector<64x128xf32>, vector<64x128xf32>, vector<64x128xf32> -> vector<64x1024xf32>
    %mul3A = arith.constant 1024 : i32
    %mul3A_65 = arith.muli %arg0, %mul3A : i32
    %add3A = arith.constant 6144 : i32
    %add3A_66 = arith.addi %add3A, %mul3A_65 : i32
    %iota3A_67 = tpu.iota {dimensions = array<i32: 0>} : vector<1024x1xi32>
    %add3A_68 = vector.broadcast %add3A_66 : i32 to vector<1024x1xi32>
    %add3A_69 = arith.addi %add3A_68, %iota3A_67 : vector<1024x1xi32>
    %lt3A = arith.constant 10000 : i32
    %lt3A_70 = vector.broadcast %lt3A : i32 to vector<1024x1xi32>
    %lt3A_71 = arith.cmpi slt, %add3A_69, %lt3A_70 : vector<1024x1xi32>
    %get3A_72 = arith.constant 0 : index
    %get3A_73 = arith.constant 0 : index
    %get3A_74 = vector.load %arg1[%get3A_72, %get3A_73] : memref<1024x128xf32, #tpu.memory_space<vmem>>, vector<1024x128xf32>
    %jit3A = arith.constant 0.000000e+00 : f32
    %broadcast_in_dim3A = vector.shape_cast %lt3A_71 : vector<1024x1xi1> to vector<1024x1xi1>
    %broadcast_in_dim3A_75 = vector.broadcast %broadcast_in_dim3A : vector<1024x1xi1> to vector<1024x128xi1>
    %broadcast_in_dim3A_76 = vector.broadcast %jit3A : f32 to vector<1024x128xf32>
    %select_n3A = arith.select %broadcast_in_dim3A_75, %get3A_74, %broadcast_in_dim3A_76 : vector<1024x128xi1>, vector<1024x128xf32>
    %get3A_77 = arith.constant 0 : index
    %get3A_78 = arith.constant 0 : index
    %get3A_79 = vector.load %arg3[%get3A_77, %get3A_78] : memref<64x128xf32, #tpu.memory_space<vmem>>, vector<64x128xf32>
    %dot_general3A = arith.constant dense<0.000000e+00> : vector<64x128xf32>
    %dot_general3A_80 = tpu.matmul %concatenate3A, %select_n3A, %dot_general3A {dimension_numbers = #tpu.dot_dimension_numbers<[1], [0], [0], [1], [0, 0, 1, 1], [], []>, transpose_lhs_hint = false} : vector<64x1024xf32>, vector<1024x128xf32>, vector<64x128xf32> -> vector<64x128xf32>
    %add3A_81 = arith.addf %get3A_79, %dot_general3A_80 : vector<64x128xf32>
    %swap3A = arith.constant 0 : index
    %swap3A_82 = arith.constant 0 : index
    %swap3A_83 = vector.load %arg3[%swap3A, %swap3A_82] : memref<64x128xf32, #tpu.memory_space<vmem>>, vector<64x128xf32>
    tpu.vector_store %arg3[%swap3A, %swap3A_82], %add3A_81 {strides = array<i32>} : memref<64x128xf32, #tpu.memory_space<vmem>>, vector<64x128xf32>,
    return
  }
  func.func @transform_0(%arg0: i32) -> (i32, i32) {
    %add3A = arith.constant 6 : i32
    %add3A_0 = arith.addi %add3A, %arg0 : i32
    %c0_i32 = arith.constant 0 : i32
    %c0_i32_1 = arith.constant 0 : i32
    return %add3A_0, %c0_i32 : i32, i32
  }
  func.func @transform_1(%arg0: i32) -> (i32, i32) {
    %add3A = arith.constant 6 : i32
    %add3A_0 = arith.addi %add3A, %arg0 : i32
    %c0_i32 = arith.constant 0 : i32
    %c0_i32_1 = arith.constant 0 : i32
    return %add3A_0, %c0_i32 : i32, i32
  }
  func.func @transform_2(%arg0: i32) -> (i32, i32) {
    %c0_i32 = arith.constant 0 : i32
    %c0_i32_0 = arith.constant 0 : i32
    %c0_i32_1 = arith.constant 0 : i32
    return %c0_i32, %c0_i32_0 : i32, i32
  }
}

</mosaic_0001>

<sc_bundles>
// kernel: kernel.5.cloned.1.call-start
scs
__scs_entry_jumppad:
0x0: {  	(pc) =	sbr.rel $0x88, $3  }
0x1: {  	(tag) =	ssettag $0x0;
	lr =	simm.s32 $0x1  }
0x2: {  	[smem:$0x3F9B] =	sst lr;
	_ =	strace $0xD0000000  }
0x3: {  	_ = 	snop  }
0x4: {  	_ = 	snop  }
0x5: {  	_ = 	snop  }
0x6: {  	_ = 	snop  }
0x7: {  	_ = 	snop  }
__scs_overlays_trampoline_lowered:
0x8: {  	[smem:$0x3FAA] =	sst s0  }
0x9: {  	[smem:$0x3FAB] =	sst s1  }
0xa: {  	[smem:$0x3FAC] =	sst s2  }
0xb: {  	[smem:$0x3FAD] =	sst s3  }
0xc: {  	[smem:$0x3FAE] =	sst s4  }
0xd: {  	[smem:$0x3FAF] =	sst s5  }
0xe: {  	[smem:$0x3FB0] =	sst s6  }
0xf: {  	[smem:$0x3FB1] =	sst s7  }
0x10: {  	[smem:$0x3FB2] =	sst s8  }
0x11: {  	[smem:$0x3FB3] =	sst s9;
	s0 =	simm.s32 @!p0 $0x0  }
0x12: {  	s1 =	sld [smem:$0x3F99];
	s0 =	simm.s32 @p0 $0x1  }
0x13: {  	[smem:$0x3FB4] =	sst s0;
	s0 =	simm.s32 @!p1 $0x0  }
0x14: {  	s2 =	sld [smem:$0x3F98];
	s0 =	simm.s32 @p1 $0x1  }
0x15: {  	[smem:$0x3FB5] =	sst s0;
	s0 =	simm.s32 @!p2 $0x0  }
0x16: {  	s3 =	sld [smem:$0x3FDB];
	s0 =	simm.s32 @p2 $0x1  }
0x17: {  	s4 =	simm.s32 $0x1BF5;
	[smem:$0x3FB7] =	sst s0  }
0x18: {  	s0 =	sld [smem:$0x3F9A];
	_ =	swait.ge [sflag:s4], $0x0  }
0x19: {  	s7 =	sld [smem:$0x3F9B]  }
0x1a: {  	s8 =	sadd.s32 $0xFFFFE003, lr  }
0x1b: {  	s9 =	sadd.s32 $0xFFFFFEF7, lr;
	s5 =	simm.s32 $0xFFFFFFFF;
	p2 =	slt.u32 s8, $0xFFFFF086  }
0x1c: {  	p1 =	slt.u32 s9, $0xF7A;
	s5 =	simm.s32 @!p2 $0x0  }
0x1d: {  	s5 =	simm.s32 @p1 $0x1;
	p0 =	seq.s32 s7, s2  }
0x1e: {  	s7 =	smul.u32 @!p0 $0xF7A, s2;
	p2 =	seq.s32 @!p0 s5, $0x0  }
0x1f: {  	s9 =	smul.u32 $0xF7A, s1;
	s8 =	simm.s32 @!p0 $0x1BF5;
	p2 =	por !p2, p0  }
0x20: {  	[sflag:s8] =	ssyncset.s32 @!p0 $0xFFFFF086;
	s6 =	sadd.s32 @!p0 s3, s7;
	s7 =	simm.s32 @!p0 $0x108  }
0x21: {  	s3 =	sadd.s32 s3, s9;
	s6 =	sadd.s32 @!p0 $0x88, s6;
	s7 =	simm.s32 @p2 $0x1082  }
0x22: {  	[simem:s7], [sflag:s8] =	dma.local @!p0 [hbm:s6], $0xF7A  }
0x23: {  	s9 =	sor.u32 $0xD0000000, s2;
	s6 =	simm.s32 $0x108;
	_ =	swait.ge @!p0 [sflag:s8], $0x0  }
0x24: {  	s3 =	sadd.s32 $0x88, s3;
	s6 =	simm.s32 @!p1 $0x1082;
	[sflag:s4] =	ssyncset.s32 $0xFFFFF086  }
0x25: {  	[simem:s6], [sflag:s4] =	dma.local [hbm:s3], $0xF7A  }
0x26: {  	[smem:$0x3F9B] =	sst s1;
	(tag) =	ssettag s2;
	_ =	strace s9  }
0x27: {  	s1 =	sld [smem:$0x3FAB]  }
0x28: {  	s2 =	sld [smem:$0x3FAC]  }
0x29: {  	s4 =	sld [smem:$0x3FAE]  }
0x2a: {  	p0 =	seq.s32 s5, $0x0;
	s5 =	sld [smem:$0x3FAF]  }
0x2b: {  	s6 =	sld [smem:$0x3FB0]  }
0x2c: {  	s7 =	sld [smem:$0x3FB1]  }
0x2d: {  	s3 =	simm.s32 $0x108;
	s8 =	sld [smem:$0x3FB2]  }
0x2e: {  	s3 =	simm.s32 @!p0 $0x1082;
	s9 =	sld [smem:$0x3FB3]  }
0x2f: {  	lr =	sadd.s32 s0, s3;
	s0 =	sld [smem:$0x3FAA]  }
0x30: {  	s3 =	sld [smem:$0x3FAD]  }
0x31: {  	[smem:$0x3FB6] =	sst s10  }
0x32: {  	s10 =	sld [smem:$0x3FB4];
	_ =	sdelay $0x3  }
0x33: {  	p0 =	seq.s32 s10, $0x1;
	s10 =	sld [smem:$0x3FB6];
	_ =	sdelay $0x3  }
0x34: {  	[smem:$0x3FB6] =	sst s10  }
0x35: {  	s10 =	sld [smem:$0x3FB5];
	_ =	sdelay $0x3  }
0x36: {  	p1 =	seq.s32 s10, $0x1;
	s10 =	sld [smem:$0x3FB6];
	_ =	sdelay $0x3  }
0x37: {  	[smem:$0x3FB6] =	sst s10  }
0x38: {  	s10 =	sld [smem:$0x3FB7]  }
0x39: {  	_ = 	snop;
	(pc) =	sbr.ind lr, $3  }
0x3a: {  	_ = 	snop  }
0x3b: {  	_ = 	snop  }
0x3c: {  	p2 =	seq.s32 s10, $0x1;
	s10 =	sld [smem:$0x3FB6]  }
0x3d: {  	_ =	shalt  }
0x3e: {  	_ =	shalt  }
0x3f: {  	_ =	shalt  }
0x40: {  	_ =	shalt  }
0x41: {  	_ =	shalt  }
0x42: {  	_ =	shalt  }
0x43: {  	_ =	shalt  }
0x44: {  	_ =	shalt  }
0x45: {  	_ =	shalt  }
0x46: {  	_ =	shalt  }
0x47: {  	_ =	shalt  }
0x48: {  	_ =	shalt  }
0x49: {  	_ =	shalt  }
0x4a: {  	_ =	shalt  }
0x4b: {  	_ =	shalt  }
0x4c: {  	_ =	shalt  }
0x4d: {  	_ =	shalt  }
0x4e: {  	_ =	shalt  }
0x4f: {  	_ =	shalt  }
0x50: {  	_ =	shalt  }
0x51: {  	_ =	shalt  }
0x52: {  	_ =	shalt  }
0x53: {  	_ =	shalt  }
0x54: {  	_ =	shalt  }
0x55: {  	_ =	shalt  }
0x56: {  	_ =	shalt  }
0x57: {  	_ =	shalt  }
0x58: {  	_ =	shalt  }
0x59: {  	_ =	shalt  }
0x5a: {  	_ =	shalt  }
0x5b: {  	_ =	shalt  }
0x5c: {  	_ =	shalt  }
0x5d: {  	_ =	shalt  }
0x5e: {  	_ =	shalt  }
0x5f: {  	_ =	shalt  }
0x60: {  	_ =	shalt  }
0x61: {  	_ =	shalt  }
0x62: {  	_ =	shalt  }
0x63: {  	_ =	shalt  }
0x64: {  	_ =	shalt  }
0x65: {  	_ =	shalt  }
0x66: {  	_ =	shalt  }
0x67: {  	_ =	shalt  }
0x68: {  	_ =	shalt  }
0x69: {  	_ =	shalt  }
0x6a: {  	_ =	shalt  }
0x6b: {  	_ =	shalt  }
0x6c: {  	_ =	shalt  }
0x6d: {  	_ =	shalt  }
0x6e: {  	_ =	shalt  }
0x6f: {  	_ =	shalt  }
0x70: {  	_ =	shalt  }
0x71: {  	_ =	shalt  }
0x72: {  	_ =	shalt  }
0x73: {  	_ =	shalt  }
0x74: {  	_ =	shalt  }
0x75: {  	_ =	shalt  }
0x76: {  	_ =	shalt  }
0x77: {  	_ =	shalt  }
0x78: {  	_ =	shalt  }
0x79: {  	_ =	shalt  }
0x7a: {  	_ =	shalt  }
0x7b: {  	_ =	shalt  }
0x7c: {  	_ =	shalt  }
0x7d: {  	_ =	shalt  }
0x7e: {  	_ =	shalt  }
0x7f: {  	_ =	shalt  }
0x80: {  	_ =	shalt  }
0x81: {  	_ =	shalt  }
0x82: {  	_ =	shalt  }
0x83: {  	_ =	shalt  }
0x84: {  	_ =	shalt  }
0x85: {  	_ =	shalt  }
0x86: {  	_ =	shalt  }
0x87: {  	_ =	shalt  }
.Lfunc_end0:
.L_simem_size_0:
called_computation_lowered:
.L_overlay_start_0:
0x88: {  	s2 =	sld [smem:$0x3FD9]  }
0x89: {  	s3 =	sld [smem:$0x3FFE];
	_ =	sdelay $0x1  }
0x8a: {  	s1 =	srdreg.scid  }
0x8b: {  	s0 =	sand.u32 $0x1, s1  }
0x8c: {  	s17 =	sshll.u32 s0, $0xA;
	s2 =	sadd.s32 s3, s2  }
0x8d: {  	s2 =	sadd.s32 s2, s17  }
0x8e: {  	[smem:$0x3FC2] =	sst s2  }
0x8f: {  	_ = 	snop  }
0x90: {  	s2 =	sld [smem:$0x3FC9]  }
0x91: {  	s18 =	sld [smem:$0x3FC8];
	(tm) =	ssettm $0x1  }
0x92: {  	s4 =	sld [smem:$0x3FFB];
	_ =	sdelay $0x3  }
0x93: {  	_ =	strace s4  }
0x94: {  	s4 =	sld [smem:$0x3FFC];
	_ =	sdelay $0x3  }
0x95: {  	_ =	strace s4  }
0x96: {  	s4 =	sld [smem:$0x3FFD];
	_ =	sdelay $0x3  }
0x97: {  	_ =	strace s4  }
0x98: {  	_ =	strace $0x8FFFFFFF  }
0x99: {  	s19 =	sld [smem:$0x3FDB];
	_ =	sdelay $0x1  }
0x9a: {  	s5 =	simm.s32 $_scs_section_size  }
0x9b: {  	s6 =	simm.s32 $_size__tile_overlayer_lowered;
	s7 =	simm.s32 $_tile_overlayer_lowered  }
0x9c: {  	s22 =	simm.s32 $0x1BFF;
	s21 =	sshll.u32 s7, $0x1;
	s4 =	sadd.s32 s5, s19  }
0x9d: {  	s8 =	simm.s32 $0x0;
	s20 =	sshll.u32 s6, $0x1;
	s6 =	sadd.s32 s21, s4  }
0x9e: {  	[timem:s8], [sflag:s22] =	dma.local [hbm:s6], s20  }
0x9f: {  	_ =	swait.ge [sflag:s22], s20  }
0xa0: {  	s5 =	ssub.s32 $0x0, s20;
	[sflag:s22] =	ssyncset.done $0x0  }
0xa1: {  	[sflag:s22] =	ssyncadd.s32 s5;
	_ =	sdelay $0x1  }
0xa2: {  	s23 =	simm.s32 $0x1B8B  }
0xa3: {  	_ =	swait.ge [sflag:s23], $0x1  }
0xa4: {  	[sflag:s23] =	ssyncset.done $0x0  }
0xa5: {  	s25 =	simm.s32 $0x1B8E;
	s24 =	sld [smem:$0x3FFE];
	[sflag:s23] =	ssyncadd.s32 $0xFFFFFFFF  }
0xa6: {  	s26 =	simm.s32 $execute0_lowered;
	[smem:$0x3FD2] =	sst s25  }
0xa7: {  	s6 =	sshll.u32 s26, $0x1;
	_ =	strace $0x80000046;
	[dreg:$0x1] =	wrdreg $0xFFFFFFFF  }
0xa8: {  	s28 =	simm.s32 $_size_execute0_lowered;
	s4 =	sadd.s32 s4, s6;
	[dreg:$0x0] =	wrdreg $0x0  }
0xa9: {  	s6 =	sshll.u32 s28, $0x1;
	[dreg:$0x2] =	wrdreg s4  }
0xaa: {  	[dreg:$0x3] =	wrdreg s6  }
0xab: {  	[dreg:$0x4] =	wrdreg $0xC0  }
0xac: {  	_ =	task [dreg:s8], $0x5FFFF  }
0xad: {  	[dreg:$0x1] =	wrdreg $0xFFFFFFFF  }
0xae: {  	[dreg:$0x0] =	wrdreg $0x60  }
0xaf: {  	[dreg:$0x2] =	wrdreg s2  }
0xb0: {  	[dreg:$0x3] =	wrdreg s18  }
0xb1: {  	[dreg:$0x4] =	wrdreg s24  }
0xb2: {  	[dreg:$0x5] =	wrdreg $0x67000  }
0xb3: {  	[dreg:$0x6] =	wrdreg $0x9  }
0xb4: {  	_ =	task.clear_ibuf [dreg:s8], $0x7FFFF;
	_ =	strace $0x90000046  }
0xb5: {  	s29 =	simm.s32 $0x9;
	_ =	strace $0x80000048  }
0xb6: {  	_ =	swait.ge [sflag:s29], $0x1  }
0xb7: {  	[sflag:s29] =	ssyncadd.s32 $0xFFFFFFFF  }
0xb8: {  	_ =	strace $0x90000048  }
0xb9: {  	_ =	sfence  }
0xba: {  	s30 =	sld [smem:$0x0];
	_ =	sdelay $0x2  }
0xbb: {  	s31 =	sshll.u32 s1, $0xD;
	s1 =	sshrl.u32 s1, $0x2  }
0xbc: {  	s3 =	sand.u32 $0x4000, s31;
	s1 =	sadd.s32 s1, s30  }
0xbd: {  	s0 =	sor.u32 s3, s0;
	s1 =	sshll.u32 s1, $0x11  }
0xbe: {  	s0 =	sor.u32 s1, s0  }
0xbf: {  	s0 =	sadd.s32 $0x8F2B, s0  }
0xc0: {  	[sflag:s0] =	ssyncadd.remote.s32 $0x1  }
0xc1: {  	_ =	sfence.sel $0xFFFF  }
0xc2: {  	[dreg:$0x0] =	wrdreg $0xFFFFFFFF;
	(pc) =	sbr.abs _section_cstart, $3  }
0xc3: {  	[dreg:$0x1] =	wrdreg $0xFFFFFFFF  }
0xc4: {  	_ =	task.clear_ibuf [dreg:s8], $0x2FFFF;
	_ =	strace $0x9FFFFFFF  }
0xc5: {  	(tm) =	ssettm $0x7FFFFFFF  }
tec
execute0_lowered:
.L_overlay_start_1:
0x0: {  	(tag) =	ssettag $0x1  }
0x1: {  	s3 =	rddreg [dreg:$0x0]  }
0x2: {  	s6 =	rddreg [dreg:$0x1]  }
0x3: {  	s4 =	rddreg [dreg:$0x2];
	s0 =	srdreg.scid  }
0x4: {  	s14 =	stileid.u32;
	s1 =	rddreg [dreg:$0x3];
	s2 =	simm.s32 $0x0  }
0x5: {  	s11 =	simm.s32 $0x4000;
	s12 =	simm.s32 $0x6000;
	s13 =	simm.s32 $0x5  }
0x6: {  	s15 =	simm.s32 $0x40;
	s16 =	simm.s32 $0x6100;
	s17 =	simm.s32 $0x2  }
0x7: {  	s18 =	simm.s32 $0x6180;
	s19 =	simm.s32 $0x3;
	s20 =	simm.s32 $0x6200  }
0x8: {  	s21 =	simm.s32 $0x4;
	s5 =	sand.u32 $0x1, s0;
	s0 =	rddreg [dreg:$0x4]  }
0x9: {  	s7 =	sshll.u32 s14, $0x1;
	[smem:$0x7FF] =	sst s2;
	s31 =	sshll.u32 s14, $0xA  }
0xa: {  	p1 =	sgt.u32 s14, $0x7;
	p0 =	sne.s32 s14, $0x0;
	s7 =	sor.u32 s5, s7  }
0xb: {  	s14 =	simm.s32 $0x1;
	s8 =	sshll.u32 s5, $0xA;
	s9 =	smul.u32 $0x6000, s7  }
0xc: {  	_ =	strace $0x80000047;
	s29 =	ssub.s32 $0x2, s5;
	s30 =	smul.u32 $0xC00, s7  }
0xd: {  	s22 =	sshrl.u32 @!p0 s1, $0x3;
	s10 =	sshrl.u32 s29, $0x1;
	s7 =	smul.u32 $0x18, s7  }
0xe: {  	s8 =	sadd.s32 s8, s4;
	s10 =	ssub.s32 s29, s10;
	s9 =	sshrl.u32 s9, $0x3  }
0xf: {  	s8 =	sadd.s32 $0x1200, s8;
	s6 =	sadd.s32 s6, s7;
	s9 =	sadd.s32 s3, s9  }
0x10: {  	s7 =	sadd.s32 s31, s1;
	s3 =	sadd.s32 s3, s30;
	s4 =	sadd.s32 $0x400, s9  }
0x11: {  	v0 =	vimm.f32 $0.0e+00;
	s5 =	sadd.s32 $0x800, s9;
	s9 =	smax.u32 s10, $0x1;
	s10 =	simm.s32 $0x2000  }
.LBB2_1:
0x12: {  	[tilespmem:s2], [sflag:$0x1] =	stream.linear.gather [hbm4b:s3+s2], $0x2000, $0x38;
	[tilespmem:$0x6900] =	vst v63  }
0x13: {  	_ = 	snop  }
0x14: {  	[tilespmem:s10], [sflag:$0x2] =	stream.linear.gather [hbm4b:s4+s2], $0x2000, $0x38;
	[tilespmem:$0x6900] =	vst v63  }
0x15: {  	_ = 	snop  }
0x16: {  	[tilespmem:s11], [sflag:$0x3] =	stream.linear.gather [hbm4b:s5+s2], $0x2000, $0x38;
	[tilespmem:$0x6900] =	vst v63  }
0x17: {  	_ = 	snop  }
0x18: {  	[tilespmem:s12], [sflag:$0x5] =	stream.linear.gather [hbm4b:s6+s2], $0xC0, $0x38;
	[tilespmem:$0x6900] =	vst v63  }
0x19: {  	_ =	swait.ge [sflag:s13], $0xC0  }
0x1a: {  	[sflag:s13] =	ssyncset.done $0x0  }
0x1b: {  	[sflag:s13] =	ssyncadd.s32 $0xFFFFFF40  }
0x1c: {  	[tilespmem:$0x6300] =	vst v0  }
0x1d: {  	[tilespmem:$0x6310] =	vst v0  }
0x1e: {  	[tilespmem:$0x6320] =	vst v0  }
0x1f: {  	[tilespmem:$0x6330] =	vst v0  }
0x20: {  	[tilespmem:$0x6340] =	vst v0  }
0x21: {  	[tilespmem:$0x6350] =	vst v0  }
0x22: {  	[tilespmem:$0x6360] =	vst v0  }
0x23: {  	[tilespmem:$0x6370] =	vst v0  }
0x24: {  	[tilespmem:$0x6380] =	vst v0  }
0x25: {  	[tilespmem:$0x6390] =	vst v0  }
0x26: {  	[tilespmem:$0x63A0] =	vst v0  }
0x27: {  	[tilespmem:$0x63B0] =	vst v0  }
0x28: {  	[tilespmem:$0x63C0] =	vst v0  }
0x29: {  	[tilespmem:$0x63D0] =	vst v0  }
0x2a: {  	[tilespmem:$0x63E0] =	vst v0  }
0x2b: {  	[tilespmem:$0x63F0] =	vst v0  }
0x2c: {  	[tilespmem:$0x6400] =	vst v0  }
0x2d: {  	[tilespmem:$0x6410] =	vst v0  }
0x2e: {  	[tilespmem:$0x6420] =	vst v0  }
0x2f: {  	[tilespmem:$0x6430] =	vst v0  }
0x30: {  	[tilespmem:$0x6440] =	vst v0  }
0x31: {  	[tilespmem:$0x6450] =	vst v0  }
0x32: {  	[tilespmem:$0x6460] =	vst v0  }
0x33: {  	[tilespmem:$0x6470] =	vst v0  }
0x34: {  	[tilespmem:$0x6480] =	vst v0  }
0x35: {  	[tilespmem:$0x6490] =	vst v0  }
0x36: {  	[tilespmem:$0x64A0] =	vst v0  }
0x37: {  	[tilespmem:$0x64B0] =	vst v0  }
0x38: {  	[tilespmem:$0x64C0] =	vst v0  }
0x39: {  	[tilespmem:$0x64D0] =	vst v0  }
0x3a: {  	[tilespmem:$0x64E0] =	vst v0  }
0x3b: {  	[tilespmem:$0x64F0] =	vst v0  }
0x3c: {  	[tilespmem:$0x6500] =	vst v0  }
0x3d: {  	[tilespmem:$0x6510] =	vst v0  }
0x3e: {  	[tilespmem:$0x6520] =	vst v0  }
0x3f: {  	[tilespmem:$0x6530] =	vst v0  }
0x40: {  	[tilespmem:$0x6540] =	vst v0  }
0x41: {  	[tilespmem:$0x6550] =	vst v0  }
0x42: {  	[tilespmem:$0x6560] =	vst v0  }
0x43: {  	[tilespmem:$0x6570] =	vst v0  }
0x44: {  	[tilespmem:$0x6580] =	vst v0  }
0x45: {  	[tilespmem:$0x6590] =	vst v0  }
0x46: {  	[tilespmem:$0x65A0] =	vst v0  }
0x47: {  	[tilespmem:$0x65B0] =	vst v0  }
0x48: {  	[tilespmem:$0x65C0] =	vst v0  }
0x49: {  	[tilespmem:$0x65D0] =	vst v0  }
0x4a: {  	[tilespmem:$0x65E0] =	vst v0  }
0x4b: {  	[tilespmem:$0x65F0] =	vst v0  }
0x4c: {  	[tilespmem:$0x6600] =	vst v0  }
0x4d: {  	[tilespmem:$0x6610] =	vst v0  }
0x4e: {  	[tilespmem:$0x6620] =	vst v0  }
0x4f: {  	[tilespmem:$0x6630] =	vst v0  }
0x50: {  	[tilespmem:$0x6640] =	vst v0  }
0x51: {  	[tilespmem:$0x6650] =	vst v0  }
0x52: {  	[tilespmem:$0x6660] =	vst v0  }
0x53: {  	[tilespmem:$0x6670] =	vst v0  }
0x54: {  	[tilespmem:$0x6680] =	vst v0  }
0x55: {  	[tilespmem:$0x6690] =	vst v0  }
0x56: {  	[tilespmem:$0x66A0] =	vst v0  }
0x57: {  	v1 =	vld [tilespmem:$0x6000];
	[tilespmem:$0x66B0] =	vst v0  }
0x58: {  	v2 =	vld [tilespmem:$0x6010];
	[tilespmem:$0x66C0] =	vst v0  }
0x59: {  	v3 =	vld [tilespmem:$0x6020];
	[tilespmem:$0x66D0] =	vst v0  }
0x5a: {  	v4 =	vld [tilespmem:$0x6030];
	[tilespmem:$0x66E0] =	vst v0  }
0x5b: {  	v5 =	vld [tilespmem:$0x6040];
	[tilespmem:$0x66F0] =	vst v0  }
0x5c: {  	[tilespmem:$0x6100] =	vst v1;
	v1 =	vld [tilespmem:$0x6050]  }
0x5d: {  	[tilespmem:$0x6110] =	vst v2;
	v2 =	vld [tilespmem:$0x6060]  }
0x5e: {  	v62 =	vld [tilespmem:$0x6080];
	[tilespmem:$0x6120] =	vst v3  }
0x5f: {  	v63 =	vld [tilespmem:$0x6090];
	[tilespmem:$0x6130] =	vst v4  }
0x60: {  	v3 =	vld [tilespmem:$0x6070];
	[tilespmem:$0x6180] =	vst v5  }
0x61: {  	[tilespmem:$0x6190] =	vst v1;
	v1 =	vld [tilespmem:$0x60A0]  }
0x62: {  	[tilespmem:$0x61A0] =	vst v2;
	v2 =	vld [tilespmem:$0x60B0]  }
0x63: {  	[tilespmem:$0x6200] =	vst v62  }
0x64: {  	[tilespmem:$0x6210] =	vst v63  }
0x65: {  	[tilespmem:$0x61B0] =	vst v3  }
0x66: {  	[tilespmem:$0x6220] =	vst v1  }
0x67: {  	s23 =	simm.s32 @!p1 $0x6300;
	[tilespmem:$0x6230] =	vst v2  }
0x68: {  	[spmem:s7] =	stream.linear.scatter @!p1 [tilespmem:s23], [sflag:$0x5], $0x400, $0x38;
	[tilespmem:$0x6900] =	vst v63  }
0x69: {  	s23 =	simm.s32 @!p1 $0x5  }
0x6a: {  	_ =	swait.ge @!p1 [sflag:s23], $0x400  }
0x6b: {  	[sflag:s23] =	ssyncset.done @!p1 $0x0  }
0x6c: {  	[sflag:s23] =	ssyncadd.s32 @!p1 $0xFFFFFC00  }
0x6d: {  	[bflag:$0x0] =	sbarrier.arrive $0xFFFF  }
0x6e: {  	_ =	swait.ge [sflag:s14], $0x2000  }
0x6f: {  	[sflag:s14] =	ssyncset.done $0x0  }
0x70: {  	[sflag:s14] =	ssyncadd.s32 $0xFFFFE000  }
0x71: {  	[spmem:s1] =	stream.indirect.scatter.add.f32 [tilespmem:s2], [sflag:$0x4], $0x80, s16, s15, $0xb8;
	[tilespmem:$0x6900] =	vst v63  }
0x72: {  	_ =	swait.ge [sflag:s17], $0x2000  }
0x73: {  	[sflag:s17] =	ssyncset.done $0x0  }
0x74: {  	[sflag:s17] =	ssyncadd.s32 $0xFFFFE000  }
0x75: {  	[spmem:s1] =	stream.indirect.scatter.add.f32 [tilespmem:s10], [sflag:$0x4], $0x80, s18, s15, $0xb8;
	[tilespmem:$0x6900] =	vst v63  }
0x76: {  	_ =	swait.ge [sflag:s19], $0x2000  }
0x77: {  	[sflag:s19] =	ssyncset.done $0x0  }
0x78: {  	[sflag:s19] =	ssyncadd.s32 $0xFFFFE000  }
0x79: {  	[spmem:s1] =	stream.indirect.scatter.add.f32 [tilespmem:s11], [sflag:$0x4], $0x80, s20, s15, $0xb8;
	[tilespmem:$0x6900] =	vst v63  }
0x7a: {  	_ =	swait.ge [sflag:s21], $0x2000  }
0x7b: {  	[sflag:s21] =	ssyncset.done $0x0  }
0x7c: {  	[sflag:s21] =	ssyncadd.s32 $0xFFFFE000  }
0x7d: {  	_ =	swait.ge [sflag:s21], $0x2000  }
0x7e: {  	[sflag:s21] =	ssyncset.done $0x0  }
0x7f: {  	[sflag:s21] =	ssyncadd.s32 $0xFFFFE000  }
0x80: {  	_ =	swait.ge [sflag:s21], $0x2000  }
0x81: {  	[sflag:s21] =	ssyncset.done $0x0  }
0x82: {  	s9 =	sadd.s32 $0xFFFFFFFF, s9;
	[sflag:s21] =	ssyncadd.s32 $0xFFFFE000  }
0x83: {  	p2 =	sne.s32 s9, $0x0;
	s23 =	simm.s32 @!p0 $0x1C05;
	[bflag:$0x0] =	sbarrier.arrive $0xFFFF  }
0x84: {  	[hbm:s8], [sflag:s23] =	dma.local @!p0 [spmem:s22], $0x400  }
.Ltmp0:
0x85: {  	_ = 	snop;
	(pc) =	sbr.rel @p2 .LBB2_1-.Ltmp0, $4  }
0x86: {  	s23 =	simm.s32 @!p0 $0x5  }
0x87: {  	_ =	swait.ge @!p0 [sflag:s23], $0x400  }
0x88: {  	[sflag:s23] =	ssyncset.done @!p0 $0x0  }
0x89: {  	[sflag:s23] =	ssyncadd.s32 @!p0 $0xFFFFFC00  }
0x8a: {  	_ =	sfence.sel $0x180000  }
0x8b: {  	[bflag:$0x0] =	sbarrier.arrive $0xFFFF  }
0x8c: {  	_ =	strace $0x90000047  }
0x8d: {  	s0 =	sadd.s32 @!p0 $0x100000, s0;
	[bflag:$0x2] =	sbarrier.arrive $0xFFFF  }
0x8e: {  	[sflag:s0] =	ssyncadd.tile.s32 @!p0 $0x1;
	_ =	shalt  }
.Lfunc_end2:
_tile_overlayer_lowered:
.L_overlay_start_2:
0x8f: {  	(tag) =	ssettag $0x2  }
0x90: {  	s0 =	rddreg [dreg:$0x0];
	s2 =	stileid.u32  }
0x91: {  	s1 =	rddreg [dreg:$0x1];
	p0 =	sne.s32 s2, $0x0  }
0x92: {  	s3 =	rddreg [dreg:$0x2];
	[bflag:$0x3] =	sbarrier.arrive $0xFFFF;
	s2 =	simm.s32 @!p0 $0x1C05  }
0x93: {  	[timem:s3], [sflag:s2] =	dma.local @!p0 [hbm:s0], s1  }
0x94: {  	s0 =	simm.s32 @!p0 $0x5  }
0x95: {  	_ =	swait.ge @!p0 [sflag:s0], s1  }
0x96: {  	s1 =	ssub.s32 @!p0 $0x0, s1;
	[sflag:s0] =	ssyncset.done @!p0 $0x0  }
0x97: {  	[sflag:s0] =	ssyncadd.s32 @!p0 s1  }
0x98: {  	[bflag:$0x3] =	sbarrier.arrive $0xFFFF  }
0x99: {  	_ =	shalt  }

</sc_bundles>
